<compile_context>
chip_gen: v7x
topology: tpu7x:2x2x1
jax: 0.10.2.dev20260603
libtpu: 0.0.44.dev20260713+nightly
codegen_flags: <defaults>
</compile_context>

<pallas_src>
import functools

import jax
import jax.numpy as jnp
from jax import lax
from jax.experimental import pallas as pl
from jax.experimental.pallas import tpu as pltpu, tpu_sc as plsc

B, C, H, W_IMG = 16, 3, 512, 512
NUM_CLASSES, TOPK_ANCH, KEEP = 21, 200, 100
HW = H * W_IMG
ROWS = B * C
RG = 8
NSEL = (NUM_CLASSES - 1) * TOPK_ANCH
KPADDED = 112


def _feat_body(x_ref, p_ref, o_ref):
    xb = x_ref[...].reshape(RG, HW)
    o_ref[...] = jax.lax.dot_general(
        xb, p_ref[...],
        dimension_numbers=(((1,), (1,)), ((), ())),
        preferred_element_type=jnp.float32)


def _feat_pallas(x3, P):
    return pl.pallas_call(
        _feat_body,
        grid=(ROWS // RG,),
        in_specs=[
            pl.BlockSpec((RG, H, W_IMG), lambda i: (i, 0, 0)),
            pl.BlockSpec((2, HW), lambda i: (0, 0)),
        ],
        out_specs=pl.BlockSpec((RG, 2), lambda i: (i, 0)),
        out_shape=jax.ShapeDtypeStruct((ROWS, 2), jnp.float32),
    )(x3, P)


def _headtopk_body(f1_ref, f2_ref, wc_ref, bc_ref, wb_ref, bb_ref,
                   sc_ref, lb_ref, ix_ref, bp_ref):
    f1 = f1_ref[...]
    f2 = f2_ref[...]

    def combo(w, bias):
        a1 = jax.lax.dot_general(f1, w, (((1,), (0,)), ((), ())),
                                 preferred_element_type=jnp.float32) + bias
        a2 = jax.lax.dot_general(f2, w, (((1,), (0,)), ((), ())),
                                 preferred_element_type=jnp.float32) + bias
        return 0.5 * (jnp.tanh(a1) + jnp.tanh(a2))

    conf0 = jax.nn.sigmoid(combo(wc_ref[...], bc_ref[...]))
    for j in range(4):
        bp_ref[j] = combo(wb_ref[3 * j:3 * j + 3], bb_ref[j:j + 1]) * 512.0

    iota_l = jax.lax.broadcasted_iota(jnp.int32, (B, NSEL), 1)
    slot_iota = jax.lax.broadcasted_iota(jnp.int32, (B, 128), 1)
    zf = jnp.zeros((B, 128), jnp.float32)
    zi = jnp.zeros((B, 128), jnp.int32)

    def step(k, carry):
        conf, sc, ix = carry
        m = jnp.max(conf, axis=1, keepdims=True)
        sel = jnp.min(jnp.where(conf == m, iota_l, NSEL),
                      axis=1, keepdims=True)
        oh = slot_iota == k
        sc = jnp.where(oh, m, sc)
        ix = jnp.where(oh, sel, ix)
        conf = jnp.where(iota_l == sel, -1.0, conf)
        return conf, sc, ix

    _, sc, ix = jax.lax.fori_loop(0, KEEP, step, (conf0, zf, zi))
    sc_ref[...] = sc[:, :KEEP]
    lb_ref[...] = ix[:, :KEEP] // TOPK_ANCH
    ix_ref[...] = ix


def _headtopk_pallas(f1, f2, Wc, bc, Wb, bb):
    return pl.pallas_call(
        _headtopk_body,
        out_shape=(
            jax.ShapeDtypeStruct((B, KEEP), jnp.float32),
            jax.ShapeDtypeStruct((B, KEEP), jnp.int32),
            jax.ShapeDtypeStruct((B, 128), jnp.int32),
            jax.ShapeDtypeStruct((4, B, NSEL), jnp.float32),
        ),
    )(f1, f2, Wc, bc, Wb, bb)


def _make_sc_wprep():
    info = plsc.get_sparse_core_info()
    nc = info.num_cores
    mesh = plsc.VectorSubcoreMesh(core_axis_name="c", subcore_axis_name="s")

    @functools.partial(
        pl.kernel, mesh=mesh,
        out_type=jax.ShapeDtypeStruct((20, NSEL), jnp.float32),
        compiler_params=pltpu.CompilerParams(needs_layout_passes=False),
        scratch_types=[
            pltpu.VMEM((NUM_CLASSES * 1000,), jnp.float32),
            pltpu.VMEM((NSEL,), jnp.float32),
        ],
    )
    def sc_wprep(w_hbm, b_hbm, out_hbm, srcv, dstv):
        wid = lax.axis_index("s") * nc + lax.axis_index("c")

        @pl.when(wid < 20)
        def _():
            c = jnp.where(wid < 15, jax.lax.rem(wid - 3, 3), 0)
            c = jnp.where(wid < 3, wid, c)
            field = jnp.where(wid < 3, 0, 0)
            field = jnp.where((wid >= 3) & (wid < 15),
                              (wid - 3) // 3 + 1, field)
            field = jnp.where(wid >= 16, wid - 15, field)
            from_b = wid >= 15

            @pl.when(jnp.logical_not(from_b))
            def _():
                pltpu.sync_copy(w_hbm.at[c], srcv)

            @pl.when(from_b)
            def _():
                pltpu.sync_copy(b_hbm.at[0], srcv)

            def chunk(t, _):
                jv = jax.lax.iota(jnp.int32, 16) + t * 16
                src = (1000 + (jv // TOPK_ANCH) * 1000
                       + jax.lax.rem(jv, TOPK_ANCH) * 5 + field)
                dstv[pl.ds(t * 16, 16)] = plsc.load_gather(srcv, [src])
                return 0

            jax.lax.fori_loop(0, NSEL // 16, chunk, 0)
            pltpu.sync_copy(dstv, out_hbm.at[wid])

    return sc_wprep


_sc_wprep = _make_sc_wprep()


def _make_sc_gather():
    info = plsc.get_sparse_core_info()
    nc = info.num_cores

    mesh = plsc.VectorSubcoreMesh(core_axis_name="c", subcore_axis_name="s")

    @functools.partial(
        pl.kernel, mesh=mesh,
        out_type=jax.ShapeDtypeStruct((B, 4, KPADDED), jnp.float32),
        compiler_params=pltpu.CompilerParams(needs_layout_passes=False),
        scratch_types=[
            pltpu.VMEM((NSEL,), jnp.float32),
            pltpu.VMEM((NSEL,), jnp.float32),
            pltpu.VMEM((NSEL,), jnp.float32),
            pltpu.VMEM((NSEL,), jnp.float32),
            pltpu.VMEM((128,), jnp.int32),
            pltpu.VMEM((4, KPADDED), jnp.float32),
        ],
    )
    def sc_gather(bp_hbm, ix_hbm, out_hbm, p0, p1, p2, p3, ixv, outv):
        wid = lax.axis_index("s") * nc + lax.axis_index("c")

        @pl.when(wid < B)
        def _():
            planes = [p0, p1, p2, p3]
            for j in range(4):
                pltpu.sync_copy(bp_hbm.at[j, wid], planes[j])
            pltpu.sync_copy(ix_hbm.at[wid], ixv)
            for j in range(4):
                for t in range(KPADDED // 16):
                    idx = ixv[pl.ds(t * 16, 16)]
                    outv[j, pl.ds(t * 16, 16)] = plsc.load_gather(
                        planes[j], [idx])
            pltpu.sync_copy(outv, out_hbm.at[wid])

    return sc_gather


_sc_gather = _make_sc_gather()


def kernel(x, pos, W, b):
    p1 = pos.reshape(HW)
    p2 = pos[::-1, :].reshape(HW)
    P = jnp.stack([p1, p2], axis=0)
    x3 = x.reshape(ROWS, H, W_IMG)
    fp = _feat_pallas(x3, P)
    f1 = fp[:, 0].reshape(B, C)
    f2 = fp[:, 1].reshape(B, C)

    wprep = _sc_wprep(W, b.reshape(1, -1))
    Wc = wprep[0:3]
    Wb = wprep[3:15]
    bc = wprep[15:16]
    bb = wprep[16:20]

    top_scores, labels, ix, bp = _headtopk_pallas(f1, f2, Wc, bc, Wb, bb)
    gathered = _sc_gather(bp, ix)
    sel_boxes = jnp.transpose(gathered[:, :, :KEEP], (0, 2, 1))
    return sel_boxes, top_scores, labels

# --- scband reference (transcript-rebuilt; emitter-appended) ---
"""Pipeline reference for scband-ssdflip-77653008711793 (READ-ONLY COPY).

The authoritative reference and input builder live on the scoring server;
editing this copy changes nothing except your own understanding.
"""

import jax, jax.numpy as jnp
import numpy as np

B, C, H, W_IMG = 16, 3, 512, 512
NUM_CLASSES, TOPK_ANCH, KEEP = 21, 200, 100


def setup_inputs(seed: int = 0) -> dict:
    key = jax.random.key(seed)
    k1, k2, k3, k4 = jax.random.split(key, 4)
    x = jax.random.normal(k1, (B, C, H, W_IMG), dtype=jnp.float32)
    # learned parameters of the (stub) SSD net: spatial pooling map + detection head
    pos = jax.random.normal(k2, (H, W_IMG), dtype=jnp.float32) * 0.01
    W = jax.random.normal(k3, (C, NUM_CLASSES * TOPK_ANCH * 5), dtype=jnp.float32) * 0.1
    b = jax.random.normal(k4, (NUM_CLASSES * TOPK_ANCH * 5,), dtype=jnp.float32) * 0.01
    return {"x": x, "pos": pos, "W": W, "b": b}


def reference(x, pos, W, b):
    # faithful jax translation of SSDFlip.ssd_predict:
    #   detections = net(x); flipped_detections = net(x[:, :, ::-1, :])
    #   then confidence filtering + box scaling by [width, height, width, height]
    def net(img):
        feat = jnp.einsum('bchw,hw->bc', img, pos)              # memory-bound full-image read
        det = jnp.tanh(feat @ W + b)
        return det.reshape(img.shape[0], NUM_CLASSES, TOPK_ANCH, 5)

    d1 = net(x)
    d2 = net(x[:, :, ::-1, :])                                   # vertical flip as in x[:, :, ::-1, :]
    det = 0.5 * (d1 + d2)

    # drop background class (index 0), like find_index[1][i] > 0
    conf = jax.nn.sigmoid(det[:, 1:, :, 0]).reshape(x.shape[0], -1)   # [B, (C-1)*K]
    scale = jnp.asarray([W_IMG, H, W_IMG, H], dtype=jnp.float32)
    boxes = det[:, 1:, :, 1:].reshape(x.shape[0], -1, 4) * scale      # bbox * [w,h,w,h]

    # fixed-size top-k selection in place of data-dependent np.where thresholding
    top_scores, top_idx = jax.lax.top_k(conf, KEEP)                   # [B, KEEP]
    sel_boxes = jnp.take_along_axis(boxes, top_idx[..., None], axis=1)  # [B, KEEP, 4]
    labels = top_idx // TOPK_ANCH                                      # label index (0-based, background removed)
    return sel_boxes, top_scores, labels

if __name__ == "__main__":
    import jax
    _d = setup_inputs()
    print(jax.jit(kernel)(*tuple(_d.values())))

</pallas_src>

<mosaic_0001>
#map = affine_map<(d0, d1) -> (0, 0)>
module attributes {stable_mosaic.version = 14 : i64} {
  func.func @sc_wprep(%arg0: i32, %arg1: i32, %arg2: memref<3x21000xf32, #tpu.memory_space<hbm>>, %arg3: memref<1x21000xf32, #tpu.memory_space<hbm>>, %arg4: memref<20x4000xf32, #tpu.memory_space<hbm>>, %arg5: memref<21000xf32, #tpu.memory_space<vmem>>, %arg6: memref<4000xf32, #tpu.memory_space<vmem>>) attributes {dimension_semantics = [#tpu.dimension_semantics<core_parallel>, #tpu.dimension_semantics<subcore_parallel>], iteration_bounds = array<i64: 2, 16>, scalar_prefetch = 0 : i64, scratch_operands = 2 : i64, tpu.core_type = #tpu.core_type<sc_vector_subcore>, window_params = [{transform_indices = #map}, {transform_indices = #map}, {transform_indices = #map}]} {
    %mul3A = arith.constant 2 : i32
    %mul3A_0 = arith.muli %arg1, %mul3A : i32
    %add3A = arith.addi %mul3A_0, %arg0 : i32
    %lt3A = arith.constant 20 : i32
    %lt3A_1 = arith.cmpi slt, %add3A, %lt3A : i32
    %convert_element_type3A = arith.extui %lt3A_1 : i1 to i32
    %cond3A = arith.constant 0 : i32
    %cond3A_2 = arith.cmpi ne, %convert_element_type3A, %cond3A : i32
    scf.if %cond3A_2 {
      %lt3A_3 = arith.constant 15 : i32
      %lt3A_4 = arith.cmpi slt, %add3A, %lt3A_3 : i32
      %sub3A = arith.constant 3 : i32
      %sub3A_5 = arith.subi %add3A, %sub3A : i32
      %rem3A = arith.constant 3 : i32
      %rem3A_6 = arith.remsi %sub3A_5, %rem3A : i32
      %jit3A = arith.constant 0 : i32
      %select_n3A = arith.select %lt3A_4, %rem3A_6, %jit3A : i32
      %lt3A_7 = arith.constant 3 : i32
      %lt3A_8 = arith.cmpi slt, %add3A, %lt3A_7 : i32
      %select_n3A_9 = arith.select %lt3A_8, %add3A, %select_n3A : i32
      %lt3A_10 = arith.constant 3 : i32
      %lt3A_11 = arith.cmpi slt, %add3A, %lt3A_10 : i32
      %jit3A_12 = arith.constant 0 : i32
      %jit3A_13 = arith.constant 0 : i32
      %select_n3A_14 = arith.select %lt3A_11, %jit3A_12, %jit3A_13 : i32
      %ge3A = arith.constant 3 : i32
      %ge3A_15 = arith.cmpi sge, %add3A, %ge3A : i32
      %lt3A_16 = arith.constant 15 : i32
      %lt3A_17 = arith.cmpi slt, %add3A, %lt3A_16 : i32
      %and3A = arith.andi %ge3A_15, %lt3A_17 : i1
      %sub3A_18 = arith.constant 3 : i32
      %sub3A_19 = arith.subi %add3A, %sub3A_18 : i32
      %jit3A_20 = arith.constant 3 : i32
      %div3A = arith.divsi %sub3A_19, %jit3A_20 : i32
      %sign3A = arith.constant 0 : i32
      %sign3A_21 = arith.cmpi sgt, %sub3A_19, %sign3A : i32
      %sign3A_22 = arith.extui %sign3A_21 : i1 to i32
      %sign3A_23 = arith.constant 0 : i32
      %sign3A_24 = arith.cmpi slt, %sub3A_19, %sign3A_23 : i32
      %sign3A_25 = arith.extui %sign3A_24 : i1 to i32
      %sign3A_26 = arith.subi %sign3A_22, %sign3A_25 : i32
      %sign3A_27 = arith.constant 0 : i32
      %sign3A_28 = arith.cmpi sgt, %jit3A_20, %sign3A_27 : i32
      %sign3A_29 = arith.extui %sign3A_28 : i1 to i32
      %sign3A_30 = arith.constant 0 : i32
      %sign3A_31 = arith.cmpi slt, %jit3A_20, %sign3A_30 : i32
      %sign3A_32 = arith.extui %sign3A_31 : i1 to i32
      %sign3A_33 = arith.subi %sign3A_29, %sign3A_32 : i32
      %ne3A = arith.cmpi ne, %sign3A_26, %sign3A_33 : i32
      %rem3A_34 = arith.remsi %sub3A_19, %jit3A_20 : i32
      %ne3A_35 = arith.constant 0 : i32
      %ne3A_36 = arith.cmpi ne, %rem3A_34, %ne3A_35 : i32
      %and3A_37 = arith.andi %ne3A, %ne3A_36 : i1
      %sub3A_38 = arith.constant 1 : i32
      %sub3A_39 = arith.subi %div3A, %sub3A_38 : i32
      %select_n3A_40 = arith.select %and3A_37, %sub3A_39, %div3A : i32
      %add3A_41 = arith.constant 1 : i32
      %add3A_42 = arith.addi %select_n3A_40, %add3A_41 : i32
      %select_n3A_43 = arith.select %and3A, %add3A_42, %select_n3A_14 : i32
      %ge3A_44 = arith.constant 16 : i32
      %ge3A_45 = arith.cmpi sge, %add3A, %ge3A_44 : i32
      %sub3A_46 = arith.constant 15 : i32
      %sub3A_47 = arith.subi %add3A, %sub3A_46 : i32
      %select_n3A_48 = arith.select %ge3A_45, %sub3A_47, %select_n3A_43 : i32
      %ge3A_49 = arith.constant 15 : i32
      %ge3A_50 = arith.cmpi sge, %add3A, %ge3A_49 : i32
      %not3A = arith.constant true
      %not3A_51 = arith.xori %ge3A_50, %not3A : i1
      %convert_element_type3A_52 = arith.extui %not3A_51 : i1 to i32
      %cond3A_53 = arith.constant 0 : i32
      %cond3A_54 = arith.cmpi ne, %convert_element_type3A_52, %cond3A_53 : i32
      scf.if %cond3A_54 {
        "tpu.region"() ({
          %run_scoped3A = tpu.sem_alloc : memref<!tpu.dma_semaphore, #tpu.memory_space<semaphore_mem>>
          %dma_start3A = arith.constant 0 : i32
          %dma_start3A_64 = tpu.memref_slice %arg2[%select_n3A_9, %dma_start3A] : memref<3x21000xf32, #tpu.memory_space<hbm>> -> memref<1x21000xf32, #tpu.memory_space<hbm>>
          %dma_start3A_65 = tpu.memref_squeeze %dma_start3A_64 : memref<1x21000xf32, #tpu.memory_space<hbm>> -> memref<21000xf32, #tpu.memory_space<hbm>>
          %dma_start3A_66 = arith.constant 0 : i32
          %dma_start3A_67 = tpu.memref_slice %arg2[%select_n3A_9, %dma_start3A_66] : memref<3x21000xf32, #tpu.memory_space<hbm>> -> memref<1x21000xf32, #tpu.memory_space<hbm>>
          %dma_start3A_68 = tpu.memref_squeeze %dma_start3A_67 : memref<1x21000xf32, #tpu.memory_space<hbm>> -> memref<21000xf32, #tpu.memory_space<hbm>>
          tpu.enqueue_dma source(%dma_start3A_68 : memref<21000xf32, #tpu.memory_space<hbm>>) target(%arg5 : memref<21000xf32, #tpu.memory_space<vmem>>) target_semaphore(%run_scoped3A : memref<!tpu.dma_semaphore, #tpu.memory_space<semaphore_mem>>)
          %dma_wait3A = arith.constant 0 : i32
          %dma_wait3A_69 = tpu.memref_slice %arg2[%select_n3A_9, %dma_wait3A] : memref<3x21000xf32, #tpu.memory_space<hbm>> -> memref<1x21000xf32, #tpu.memory_space<hbm>>
          %dma_wait3A_70 = tpu.memref_squeeze %dma_wait3A_69 : memref<1x21000xf32, #tpu.memory_space<hbm>> -> memref<21000xf32, #tpu.memory_space<hbm>>
          %dma_wait3A_71 = arith.constant 0 : i32
          %dma_wait3A_72 = tpu.memref_slice %arg2[%select_n3A_9, %dma_wait3A_71] : memref<3x21000xf32, #tpu.memory_space<hbm>> -> memref<1x21000xf32, #tpu.memory_space<hbm>>
          %dma_wait3A_73 = tpu.memref_squeeze %dma_wait3A_72 : memref<1x21000xf32, #tpu.memory_space<hbm>> -> memref<21000xf32, #tpu.memory_space<hbm>>
          tpu.wait_dma2 semaphore(%run_scoped3A : memref<!tpu.dma_semaphore, #tpu.memory_space<semaphore_mem>>) src(%dma_wait3A_73 : memref<21000xf32, #tpu.memory_space<hbm>>) dst(%arg5 : memref<21000xf32, #tpu.memory_space<vmem>>)
          tpu.yield
        }) : () -> ()
      } else {
      }
      %convert_element_type3A_55 = arith.extui %ge3A_50 : i1 to i32
      %cond3A_56 = arith.constant 0 : i32
      %cond3A_57 = arith.cmpi ne, %convert_element_type3A_55, %cond3A_56 : i32
      scf.if %cond3A_57 {
        %run_scoped3A = arith.constant 0 : i32
        "tpu.region"() ({
          %run_scoped3A_64 = tpu.sem_alloc : memref<!tpu.dma_semaphore, #tpu.memory_space<semaphore_mem>>
          %dma_start3A = arith.constant 0 : i32
          %dma_start3A_65 = tpu.memref_slice %arg3[%run_scoped3A, %dma_start3A] : memref<1x21000xf32, #tpu.memory_space<hbm>> -> memref<1x21000xf32, #tpu.memory_space<hbm>>
          %dma_start3A_66 = tpu.memref_squeeze %dma_start3A_65 : memref<1x21000xf32, #tpu.memory_space<hbm>> -> memref<21000xf32, #tpu.memory_space<hbm>>
          %dma_start3A_67 = arith.constant 0 : i32
          %dma_start3A_68 = tpu.memref_slice %arg3[%run_scoped3A, %dma_start3A_67] : memref<1x21000xf32, #tpu.memory_space<hbm>> -> memref<1x21000xf32, #tpu.memory_space<hbm>>
          %dma_start3A_69 = tpu.memref_squeeze %dma_start3A_68 : memref<1x21000xf32, #tpu.memory_space<hbm>> -> memref<21000xf32, #tpu.memory_space<hbm>>
          tpu.enqueue_dma source(%dma_start3A_69 : memref<21000xf32, #tpu.memory_space<hbm>>) target(%arg5 : memref<21000xf32, #tpu.memory_space<vmem>>) target_semaphore(%run_scoped3A_64 : memref<!tpu.dma_semaphore, #tpu.memory_space<semaphore_mem>>)
          %dma_wait3A = arith.constant 0 : i32
          %dma_wait3A_70 = tpu.memref_slice %arg3[%run_scoped3A, %dma_wait3A] : memref<1x21000xf32, #tpu.memory_space<hbm>> -> memref<1x21000xf32, #tpu.memory_space<hbm>>
          %dma_wait3A_71 = tpu.memref_squeeze %dma_wait3A_70 : memref<1x21000xf32, #tpu.memory_space<hbm>> -> memref<21000xf32, #tpu.memory_space<hbm>>
          %dma_wait3A_72 = arith.constant 0 : i32
          %dma_wait3A_73 = tpu.memref_slice %arg3[%run_scoped3A, %dma_wait3A_72] : memref<1x21000xf32, #tpu.memory_space<hbm>> -> memref<1x21000xf32, #tpu.memory_space<hbm>>
          %dma_wait3A_74 = tpu.memref_squeeze %dma_wait3A_73 : memref<1x21000xf32, #tpu.memory_space<hbm>> -> memref<21000xf32, #tpu.memory_space<hbm>>
          tpu.wait_dma2 semaphore(%run_scoped3A_64 : memref<!tpu.dma_semaphore, #tpu.memory_space<semaphore_mem>>) src(%dma_wait3A_74 : memref<21000xf32, #tpu.memory_space<hbm>>) dst(%arg5 : memref<21000xf32, #tpu.memory_space<vmem>>)
          tpu.yield
        }) : () -> ()
      } else {
      }
      %scan3A = arith.constant 0 : i32
      %scan3A_58 = arith.constant 0 : i32
      %scan3A_59 = arith.constant 250 : i32
      %scan3A_60 = arith.addi %scan3A_58, %scan3A_59 : i32
      %scan3A_61 = arith.constant 1 : i32
      %scan3A_62 = scf.for %scan3A_64 = %scan3A_58 to %scan3A_60 step %scan3A_61 iter_args(%scan3A_65 = %scan3A) -> (i32)  : i32 {
        %iota3A = tpu.iota {dimensions = array<i32: 0>} : vector<16xi32>
        %mul3A_66 = arith.constant 16 : i32
        %mul3A_67 = arith.muli %scan3A_64, %mul3A_66 : i32
        %add3A_68 = vector.broadcast %mul3A_67 : i32 to vector<16xi32>
        %add3A_69 = arith.addi %iota3A, %add3A_68 : vector<16xi32>
        %jit3A_70 = arith.constant 200 : i32
        %div3A_71 = vector.broadcast %jit3A_70 : i32 to vector<16xi32>
        %div3A_72 = arith.divsi %add3A_69, %div3A_71 : vector<16xi32>
        %sign3A_73 = arith.constant 0 : i32
        %sign3A_74 = vector.broadcast %sign3A_73 : i32 to vector<16xi32>
        %sign3A_75 = arith.cmpi sgt, %add3A_69, %sign3A_74 : vector<16xi32>
        %sign3A_76 = arith.extui %sign3A_75 : vector<16xi1> to vector<16xi32>
        %sign3A_77 = arith.constant 0 : i32
        %sign3A_78 = vector.broadcast %sign3A_77 : i32 to vector<16xi32>
        %sign3A_79 = arith.cmpi slt, %add3A_69, %sign3A_78 : vector<16xi32>
        %sign3A_80 = arith.extui %sign3A_79 : vector<16xi1> to vector<16xi32>
        %sign3A_81 = arith.subi %sign3A_76, %sign3A_80 : vector<16xi32>
        %sign3A_82 = arith.constant 0 : i32
        %sign3A_83 = arith.cmpi sgt, %jit3A_70, %sign3A_82 : i32
        %sign3A_84 = arith.extui %sign3A_83 : i1 to i32
        %sign3A_85 = arith.constant 0 : i32
        %sign3A_86 = arith.cmpi slt, %jit3A_70, %sign3A_85 : i32
        %sign3A_87 = arith.extui %sign3A_86 : i1 to i32
        %sign3A_88 = arith.subi %sign3A_84, %sign3A_87 : i32
        %ne3A_89 = vector.broadcast %sign3A_88 : i32 to vector<16xi32>
        %ne3A_90 = arith.cmpi ne, %sign3A_81, %ne3A_89 : vector<16xi32>
        %rem3A_91 = vector.broadcast %jit3A_70 : i32 to vector<16xi32>
        %rem3A_92 = arith.remsi %add3A_69, %rem3A_91 : vector<16xi32>
        %ne3A_93 = arith.constant 0 : i32
        %ne3A_94 = vector.broadcast %ne3A_93 : i32 to vector<16xi32>
        %ne3A_95 = arith.cmpi ne, %rem3A_92, %ne3A_94 : vector<16xi32>
        %and3A_96 = arith.andi %ne3A_90, %ne3A_95 : vector<16xi1>
        %sub3A_97 = arith.constant 1 : i32
        %sub3A_98 = vector.broadcast %sub3A_97 : i32 to vector<16xi32>
        %sub3A_99 = arith.subi %div3A_72, %sub3A_98 : vector<16xi32>
        %select_n3A_100 = arith.select %and3A_96, %sub3A_99, %div3A_72 : vector<16xi1>, vector<16xi32>
        %mul3A_101 = arith.constant 1000 : i32
        %mul3A_102 = vector.broadcast %mul3A_101 : i32 to vector<16xi32>
        %mul3A_103 = arith.muli %select_n3A_100, %mul3A_102 : vector<16xi32>
        %add3A_104 = arith.constant 1000 : i32
        %add3A_105 = vector.broadcast %add3A_104 : i32 to vector<16xi32>
        %add3A_106 = arith.addi %add3A_105, %mul3A_103 : vector<16xi32>
        %rem3A_107 = arith.constant 200 : i32
        %rem3A_108 = vector.broadcast %rem3A_107 : i32 to vector<16xi32>
        %rem3A_109 = arith.remsi %add3A_69, %rem3A_108 : vector<16xi32>
        %mul3A_110 = arith.constant 5 : i32
        %mul3A_111 = vector.broadcast %mul3A_110 : i32 to vector<16xi32>
        %mul3A_112 = arith.muli %rem3A_109, %mul3A_111 : vector<16xi32>
        %add3A_113 = arith.addi %add3A_106, %mul3A_112 : vector<16xi32>
        %add3A_114 = vector.broadcast %select_n3A_48 : i32 to vector<16xi32>
        %add3A_115 = arith.addi %add3A_113, %add3A_114 : vector<16xi32>
        %gather3A = tpu.vector_load_idx %arg5[%add3A_115] : memref<21000xf32, #tpu.memory_space<vmem>>[vector<16xi32>], vector<16xf32>,
        %mul3A_116 = arith.constant 16 : i32
        %mul3A_117 = arith.muli %scan3A_64, %mul3A_116 : i32
        %swap3A = arith.index_cast %mul3A_117 : i32 to index
        %swap3A_118 = tpu.vector_load %arg6[%swap3A] {strides = array<i32>} : memref<4000xf32, #tpu.memory_space<vmem>>, vector<16xf32>,
        tpu.vector_store %arg6[%swap3A], %gather3A {strides = array<i32>} : memref<4000xf32, #tpu.memory_space<vmem>>, vector<16xf32>,
        %scan3A_119 = arith.constant 0 : i32
        scf.yield %scan3A_119 : i32
      }
      %scan3A_63 = arith.constant 250 : i32
      "tpu.region"() ({
        %run_scoped3A = tpu.sem_alloc : memref<!tpu.dma_semaphore, #tpu.memory_space<semaphore_mem>>
        %dma_start3A = arith.constant 0 : i32
        %dma_start3A_64 = tpu.memref_slice %arg4[%add3A, %dma_start3A] : memref<20x4000xf32, #tpu.memory_space<hbm>> -> memref<1x4000xf32, #tpu.memory_space<hbm>>
        %dma_start3A_65 = tpu.memref_squeeze %dma_start3A_64 : memref<1x4000xf32, #tpu.memory_space<hbm>> -> memref<4000xf32, #tpu.memory_space<hbm>>
        %dma_start3A_66 = arith.constant 0 : i32
        %dma_start3A_67 = tpu.memref_slice %arg4[%add3A, %dma_start3A_66] : memref<20x4000xf32, #tpu.memory_space<hbm>> -> memref<1x4000xf32, #tpu.memory_space<hbm>>
        %dma_start3A_68 = tpu.memref_squeeze %dma_start3A_67 : memref<1x4000xf32, #tpu.memory_space<hbm>> -> memref<4000xf32, #tpu.memory_space<hbm>>
        tpu.enqueue_dma source(%arg6 : memref<4000xf32, #tpu.memory_space<vmem>>) target(%dma_start3A_68 : memref<4000xf32, #tpu.memory_space<hbm>>) target_semaphore(%run_scoped3A : memref<!tpu.dma_semaphore, #tpu.memory_space<semaphore_mem>>)
        %dma_wait3A = arith.constant 0 : i32
        %dma_wait3A_69 = tpu.memref_slice %arg4[%add3A, %dma_wait3A] : memref<20x4000xf32, #tpu.memory_space<hbm>> -> memref<1x4000xf32, #tpu.memory_space<hbm>>
        %dma_wait3A_70 = tpu.memref_squeeze %dma_wait3A_69 : memref<1x4000xf32, #tpu.memory_space<hbm>> -> memref<4000xf32, #tpu.memory_space<hbm>>
        %dma_wait3A_71 = arith.constant 0 : i32
        %dma_wait3A_72 = tpu.memref_slice %arg4[%add3A, %dma_wait3A_71] : memref<20x4000xf32, #tpu.memory_space<hbm>> -> memref<1x4000xf32, #tpu.memory_space<hbm>>
        %dma_wait3A_73 = tpu.memref_squeeze %dma_wait3A_72 : memref<1x4000xf32, #tpu.memory_space<hbm>> -> memref<4000xf32, #tpu.memory_space<hbm>>
        tpu.wait_dma2 semaphore(%run_scoped3A : memref<!tpu.dma_semaphore, #tpu.memory_space<semaphore_mem>>) src(%arg6 : memref<4000xf32, #tpu.memory_space<vmem>>) dst(%dma_wait3A_73 : memref<4000xf32, #tpu.memory_space<hbm>>)
        tpu.yield
      }) : () -> ()
    } else {
    }
    return
  }
}

#map = affine_map<(d0, d1) -> (0, 0, 0)>
#map1 = affine_map<(d0, d1) -> (0, 0)>
module attributes {stable_mosaic.version = 14 : i64} {
  func.func @sc_gather(%arg0: i32, %arg1: i32, %arg2: memref<4x16x4000xf32, #tpu.memory_space<hbm>>, %arg3: memref<16x128xi32, #tpu.memory_space<hbm>>, %arg4: memref<16x4x112xf32, #tpu.memory_space<hbm>>, %arg5: memref<4000xf32, #tpu.memory_space<vmem>>, %arg6: memref<4000xf32, #tpu.memory_space<vmem>>, %arg7: memref<4000xf32, #tpu.memory_space<vmem>>, %arg8: memref<4000xf32, #tpu.memory_space<vmem>>, %arg9: memref<128xi32, #tpu.memory_space<vmem>>, %arg10: memref<4x112xf32, #tpu.memory_space<vmem>>) attributes {dimension_semantics = [#tpu.dimension_semantics<core_parallel>, #tpu.dimension_semantics<subcore_parallel>], iteration_bounds = array<i64: 2, 16>, scalar_prefetch = 0 : i64, scratch_operands = 6 : i64, tpu.core_type = #tpu.core_type<sc_vector_subcore>, window_params = [{transform_indices = #map}, {transform_indices = #map1}, {transform_indices = #map}]} {
    %mul3A = arith.constant 2 : i32
    %mul3A_0 = arith.muli %arg1, %mul3A : i32
    %add3A = arith.addi %mul3A_0, %arg0 : i32
    %lt3A = arith.constant 16 : i32
    %lt3A_1 = arith.cmpi slt, %add3A, %lt3A : i32
    %convert_element_type3A = arith.extui %lt3A_1 : i1 to i32
    %cond3A = arith.constant 0 : i32
    %cond3A_2 = arith.cmpi ne, %convert_element_type3A, %cond3A : i32
    scf.if %cond3A_2 {
      %run_scoped3A = arith.constant 0 : i32
      "tpu.region"() ({
        %run_scoped3A_199 = tpu.sem_alloc : memref<!tpu.dma_semaphore, #tpu.memory_space<semaphore_mem>>
        %dma_start3A = arith.constant 0 : i32
        %dma_start3A_200 = tpu.memref_slice %arg2[%run_scoped3A, %add3A, %dma_start3A] : memref<4x16x4000xf32, #tpu.memory_space<hbm>> -> memref<1x1x4000xf32, #tpu.memory_space<hbm>>
        %dma_start3A_201 = tpu.memref_squeeze %dma_start3A_200 : memref<1x1x4000xf32, #tpu.memory_space<hbm>> -> memref<4000xf32, #tpu.memory_space<hbm>>
        %dma_start3A_202 = arith.constant 0 : i32
        %dma_start3A_203 = tpu.memref_slice %arg2[%run_scoped3A, %add3A, %dma_start3A_202] : memref<4x16x4000xf32, #tpu.memory_space<hbm>> -> memref<1x1x4000xf32, #tpu.memory_space<hbm>>
        %dma_start3A_204 = tpu.memref_squeeze %dma_start3A_203 : memref<1x1x4000xf32, #tpu.memory_space<hbm>> -> memref<4000xf32, #tpu.memory_space<hbm>>
        tpu.enqueue_dma source(%dma_start3A_204 : memref<4000xf32, #tpu.memory_space<hbm>>) target(%arg5 : memref<4000xf32, #tpu.memory_space<vmem>>) target_semaphore(%run_scoped3A_199 : memref<!tpu.dma_semaphore, #tpu.memory_space<semaphore_mem>>)
        %dma_wait3A = arith.constant 0 : i32
        %dma_wait3A_205 = tpu.memref_slice %arg2[%run_scoped3A, %add3A, %dma_wait3A] : memref<4x16x4000xf32, #tpu.memory_space<hbm>> -> memref<1x1x4000xf32, #tpu.memory_space<hbm>>
        %dma_wait3A_206 = tpu.memref_squeeze %dma_wait3A_205 : memref<1x1x4000xf32, #tpu.memory_space<hbm>> -> memref<4000xf32, #tpu.memory_space<hbm>>
        %dma_wait3A_207 = arith.constant 0 : i32
        %dma_wait3A_208 = tpu.memref_slice %arg2[%run_scoped3A, %add3A, %dma_wait3A_207] : memref<4x16x4000xf32, #tpu.memory_space<hbm>> -> memref<1x1x4000xf32, #tpu.memory_space<hbm>>
        %dma_wait3A_209 = tpu.memref_squeeze %dma_wait3A_208 : memref<1x1x4000xf32, #tpu.memory_space<hbm>> -> memref<4000xf32, #tpu.memory_space<hbm>>
        tpu.wait_dma2 semaphore(%run_scoped3A_199 : memref<!tpu.dma_semaphore, #tpu.memory_space<semaphore_mem>>) src(%dma_wait3A_209 : memref<4000xf32, #tpu.memory_space<hbm>>) dst(%arg5 : memref<4000xf32, #tpu.memory_space<vmem>>)
        tpu.yield
      }) : () -> ()
      %run_scoped3A_3 = arith.constant 1 : i32
      "tpu.region"() ({
        %run_scoped3A_199 = tpu.sem_alloc : memref<!tpu.dma_semaphore, #tpu.memory_space<semaphore_mem>>
        %dma_start3A = arith.constant 0 : i32
        %dma_start3A_200 = tpu.memref_slice %arg2[%run_scoped3A_3, %add3A, %dma_start3A] : memref<4x16x4000xf32, #tpu.memory_space<hbm>> -> memref<1x1x4000xf32, #tpu.memory_space<hbm>>
        %dma_start3A_201 = tpu.memref_squeeze %dma_start3A_200 : memref<1x1x4000xf32, #tpu.memory_space<hbm>> -> memref<4000xf32, #tpu.memory_space<hbm>>
        %dma_start3A_202 = arith.constant 0 : i32
        %dma_start3A_203 = tpu.memref_slice %arg2[%run_scoped3A_3, %add3A, %dma_start3A_202] : memref<4x16x4000xf32, #tpu.memory_space<hbm>> -> memref<1x1x4000xf32, #tpu.memory_space<hbm>>
        %dma_start3A_204 = tpu.memref_squeeze %dma_start3A_203 : memref<1x1x4000xf32, #tpu.memory_space<hbm>> -> memref<4000xf32, #tpu.memory_space<hbm>>
        tpu.enqueue_dma source(%dma_start3A_204 : memref<4000xf32, #tpu.memory_space<hbm>>) target(%arg6 : memref<4000xf32, #tpu.memory_space<vmem>>) target_semaphore(%run_scoped3A_199 : memref<!tpu.dma_semaphore, #tpu.memory_space<semaphore_mem>>)
        %dma_wait3A = arith.constant 0 : i32
        %dma_wait3A_205 = tpu.memref_slice %arg2[%run_scoped3A_3, %add3A, %dma_wait3A] : memref<4x16x4000xf32, #tpu.memory_space<hbm>> -> memref<1x1x4000xf32, #tpu.memory_space<hbm>>
        %dma_wait3A_206 = tpu.memref_squeeze %dma_wait3A_205 : memref<1x1x4000xf32, #tpu.memory_space<hbm>> -> memref<4000xf32, #tpu.memory_space<hbm>>
        %dma_wait3A_207 = arith.constant 0 : i32
        %dma_wait3A_208 = tpu.memref_slice %arg2[%run_scoped3A_3, %add3A, %dma_wait3A_207] : memref<4x16x4000xf32, #tpu.memory_space<hbm>> -> memref<1x1x4000xf32, #tpu.memory_space<hbm>>
        %dma_wait3A_209 = tpu.memref_squeeze %dma_wait3A_208 : memref<1x1x4000xf32, #tpu.memory_space<hbm>> -> memref<4000xf32, #tpu.memory_space<hbm>>
        tpu.wait_dma2 semaphore(%run_scoped3A_199 : memref<!tpu.dma_semaphore, #tpu.memory_space<semaphore_mem>>) src(%dma_wait3A_209 : memref<4000xf32, #tpu.memory_space<hbm>>) dst(%arg6 : memref<4000xf32, #tpu.memory_space<vmem>>)
        tpu.yield
      }) : () -> ()
      %run_scoped3A_4 = arith.constant 2 : i32
      "tpu.region"() ({
        %run_scoped3A_199 = tpu.sem_alloc : memref<!tpu.dma_semaphore, #tpu.memory_space<semaphore_mem>>
        %dma_start3A = arith.constant 0 : i32
        %dma_start3A_200 = tpu.memref_slice %arg2[%run_scoped3A_4, %add3A, %dma_start3A] : memref<4x16x4000xf32, #tpu.memory_space<hbm>> -> memref<1x1x4000xf32, #tpu.memory_space<hbm>>
        %dma_start3A_201 = tpu.memref_squeeze %dma_start3A_200 : memref<1x1x4000xf32, #tpu.memory_space<hbm>> -> memref<4000xf32, #tpu.memory_space<hbm>>
        %dma_start3A_202 = arith.constant 0 : i32
        %dma_start3A_203 = tpu.memref_slice %arg2[%run_scoped3A_4, %add3A, %dma_start3A_202] : memref<4x16x4000xf32, #tpu.memory_space<hbm>> -> memref<1x1x4000xf32, #tpu.memory_space<hbm>>
        %dma_start3A_204 = tpu.memref_squeeze %dma_start3A_203 : memref<1x1x4000xf32, #tpu.memory_space<hbm>> -> memref<4000xf32, #tpu.memory_space<hbm>>
        tpu.enqueue_dma source(%dma_start3A_204 : memref<4000xf32, #tpu.memory_space<hbm>>) target(%arg7 : memref<4000xf32, #tpu.memory_space<vmem>>) target_semaphore(%run_scoped3A_199 : memref<!tpu.dma_semaphore, #tpu.memory_space<semaphore_mem>>)
        %dma_wait3A = arith.constant 0 : i32
        %dma_wait3A_205 = tpu.memref_slice %arg2[%run_scoped3A_4, %add3A, %dma_wait3A] : memref<4x16x4000xf32, #tpu.memory_space<hbm>> -> memref<1x1x4000xf32, #tpu.memory_space<hbm>>
        %dma_wait3A_206 = tpu.memref_squeeze %dma_wait3A_205 : memref<1x1x4000xf32, #tpu.memory_space<hbm>> -> memref<4000xf32, #tpu.memory_space<hbm>>
        %dma_wait3A_207 = arith.constant 0 : i32
        %dma_wait3A_208 = tpu.memref_slice %arg2[%run_scoped3A_4, %add3A, %dma_wait3A_207] : memref<4x16x4000xf32, #tpu.memory_space<hbm>> -> memref<1x1x4000xf32, #tpu.memory_space<hbm>>
        %dma_wait3A_209 = tpu.memref_squeeze %dma_wait3A_208 : memref<1x1x4000xf32, #tpu.memory_space<hbm>> -> memref<4000xf32, #tpu.memory_space<hbm>>
        tpu.wait_dma2 semaphore(%run_scoped3A_199 : memref<!tpu.dma_semaphore, #tpu.memory_space<semaphore_mem>>) src(%dma_wait3A_209 : memref<4000xf32, #tpu.memory_space<hbm>>) dst(%arg7 : memref<4000xf32, #tpu.memory_space<vmem>>)
        tpu.yield
      }) : () -> ()
      %run_scoped3A_5 = arith.constant 3 : i32
      "tpu.region"() ({
        %run_scoped3A_199 = tpu.sem_alloc : memref<!tpu.dma_semaphore, #tpu.memory_space<semaphore_mem>>
        %dma_start3A = arith.constant 0 : i32
        %dma_start3A_200 = tpu.memref_slice %arg2[%run_scoped3A_5, %add3A, %dma_start3A] : memref<4x16x4000xf32, #tpu.memory_space<hbm>> -> memref<1x1x4000xf32, #tpu.memory_space<hbm>>
        %dma_start3A_201 = tpu.memref_squeeze %dma_start3A_200 : memref<1x1x4000xf32, #tpu.memory_space<hbm>> -> memref<4000xf32, #tpu.memory_space<hbm>>
        %dma_start3A_202 = arith.constant 0 : i32
        %dma_start3A_203 = tpu.memref_slice %arg2[%run_scoped3A_5, %add3A, %dma_start3A_202] : memref<4x16x4000xf32, #tpu.memory_space<hbm>> -> memref<1x1x4000xf32, #tpu.memory_space<hbm>>
        %dma_start3A_204 = tpu.memref_squeeze %dma_start3A_203 : memref<1x1x4000xf32, #tpu.memory_space<hbm>> -> memref<4000xf32, #tpu.memory_space<hbm>>
        tpu.enqueue_dma source(%dma_start3A_204 : memref<4000xf32, #tpu.memory_space<hbm>>) target(%arg8 : memref<4000xf32, #tpu.memory_space<vmem>>) target_semaphore(%run_scoped3A_199 : memref<!tpu.dma_semaphore, #tpu.memory_space<semaphore_mem>>)
        %dma_wait3A = arith.constant 0 : i32
        %dma_wait3A_205 = tpu.memref_slice %arg2[%run_scoped3A_5, %add3A, %dma_wait3A] : memref<4x16x4000xf32, #tpu.memory_space<hbm>> -> memref<1x1x4000xf32, #tpu.memory_space<hbm>>
        %dma_wait3A_206 = tpu.memref_squeeze %dma_wait3A_205 : memref<1x1x4000xf32, #tpu.memory_space<hbm>> -> memref<4000xf32, #tpu.memory_space<hbm>>
        %dma_wait3A_207 = arith.constant 0 : i32
        %dma_wait3A_208 = tpu.memref_slice %arg2[%run_scoped3A_5, %add3A, %dma_wait3A_207] : memref<4x16x4000xf32, #tpu.memory_space<hbm>> -> memref<1x1x4000xf32, #tpu.memory_space<hbm>>
        %dma_wait3A_209 = tpu.memref_squeeze %dma_wait3A_208 : memref<1x1x4000xf32, #tpu.memory_space<hbm>> -> memref<4000xf32, #tpu.memory_space<hbm>>
        tpu.wait_dma2 semaphore(%run_scoped3A_199 : memref<!tpu.dma_semaphore, #tpu.memory_space<semaphore_mem>>) src(%dma_wait3A_209 : memref<4000xf32, #tpu.memory_space<hbm>>) dst(%arg8 : memref<4000xf32, #tpu.memory_space<vmem>>)
        tpu.yield
      }) : () -> ()
      "tpu.region"() ({
        %run_scoped3A_199 = tpu.sem_alloc : memref<!tpu.dma_semaphore, #tpu.memory_space<semaphore_mem>>
        %dma_start3A = arith.constant 0 : i32
        %dma_start3A_200 = tpu.memref_slice %arg3[%add3A, %dma_start3A] : memref<16x128xi32, #tpu.memory_space<hbm>> -> memref<1x128xi32, #tpu.memory_space<hbm>>
        %dma_start3A_201 = tpu.memref_squeeze %dma_start3A_200 : memref<1x128xi32, #tpu.memory_space<hbm>> -> memref<128xi32, #tpu.memory_space<hbm>>
        %dma_start3A_202 = arith.constant 0 : i32
        %dma_start3A_203 = tpu.memref_slice %arg3[%add3A, %dma_start3A_202] : memref<16x128xi32, #tpu.memory_space<hbm>> -> memref<1x128xi32, #tpu.memory_space<hbm>>
        %dma_start3A_204 = tpu.memref_squeeze %dma_start3A_203 : memref<1x128xi32, #tpu.memory_space<hbm>> -> memref<128xi32, #tpu.memory_space<hbm>>
        tpu.enqueue_dma source(%dma_start3A_204 : memref<128xi32, #tpu.memory_space<hbm>>) target(%arg9 : memref<128xi32, #tpu.memory_space<vmem>>) target_semaphore(%run_scoped3A_199 : memref<!tpu.dma_semaphore, #tpu.memory_space<semaphore_mem>>)
        %dma_wait3A = arith.constant 0 : i32
        %dma_wait3A_205 = tpu.memref_slice %arg3[%add3A, %dma_wait3A] : memref<16x128xi32, #tpu.memory_space<hbm>> -> memref<1x128xi32, #tpu.memory_space<hbm>>
        %dma_wait3A_206 = tpu.memref_squeeze %dma_wait3A_205 : memref<1x128xi32, #tpu.memory_space<hbm>> -> memref<128xi32, #tpu.memory_space<hbm>>
        %dma_wait3A_207 = arith.constant 0 : i32
        %dma_wait3A_208 = tpu.memref_slice %arg3[%add3A, %dma_wait3A_207] : memref<16x128xi32, #tpu.memory_space<hbm>> -> memref<1x128xi32, #tpu.memory_space<hbm>>
        %dma_wait3A_209 = tpu.memref_squeeze %dma_wait3A_208 : memref<1x128xi32, #tpu.memory_space<hbm>> -> memref<128xi32, #tpu.memory_space<hbm>>
        tpu.wait_dma2 semaphore(%run_scoped3A_199 : memref<!tpu.dma_semaphore, #tpu.memory_space<semaphore_mem>>) src(%dma_wait3A_209 : memref<128xi32, #tpu.memory_space<hbm>>) dst(%arg9 : memref<128xi32, #tpu.memory_space<vmem>>)
        tpu.yield
      }) : () -> ()
      %get3A = arith.constant 0 : index
      %get3A_6 = tpu.vector_load %arg9[%get3A] {strides = array<i32>} : memref<128xi32, #tpu.memory_space<vmem>>, vector<16xi32>,
      %gather3A = tpu.vector_load_idx %arg5[%get3A_6] : memref<4000xf32, #tpu.memory_space<vmem>>[vector<16xi32>], vector<16xf32>,
      %swap3A = arith.constant 0 : i32
      %swap3A_7 = arith.index_cast %swap3A : i32 to index
      %swap3A_8 = arith.constant 0 : index
      %swap3A_9 = tpu.vector_load %arg10[%swap3A_7, %swap3A_8] {strides = array<i32>} : memref<4x112xf32, #tpu.memory_space<vmem>>, vector<16xf32>,
      tpu.vector_store %arg10[%swap3A_7, %swap3A_8], %gather3A {strides = array<i32>} : memref<4x112xf32, #tpu.memory_space<vmem>>, vector<16xf32>,
      %get3A_10 = arith.constant 16 : index
      %get3A_11 = tpu.vector_load %arg9[%get3A_10] {strides = array<i32>} : memref<128xi32, #tpu.memory_space<vmem>>, vector<16xi32>,
      %gather3A_12 = tpu.vector_load_idx %arg5[%get3A_11] : memref<4000xf32, #tpu.memory_space<vmem>>[vector<16xi32>], vector<16xf32>,
      %swap3A_13 = arith.constant 0 : i32
      %swap3A_14 = arith.index_cast %swap3A_13 : i32 to index
      %swap3A_15 = arith.constant 16 : index
      %swap3A_16 = tpu.vector_load %arg10[%swap3A_14, %swap3A_15] {strides = array<i32>} : memref<4x112xf32, #tpu.memory_space<vmem>>, vector<16xf32>,
      tpu.vector_store %arg10[%swap3A_14, %swap3A_15], %gather3A_12 {strides = array<i32>} : memref<4x112xf32, #tpu.memory_space<vmem>>, vector<16xf32>,
      %get3A_17 = arith.constant 32 : index
      %get3A_18 = tpu.vector_load %arg9[%get3A_17] {strides = array<i32>} : memref<128xi32, #tpu.memory_space<vmem>>, vector<16xi32>,
      %gather3A_19 = tpu.vector_load_idx %arg5[%get3A_18] : memref<4000xf32, #tpu.memory_space<vmem>>[vector<16xi32>], vector<16xf32>,
      %swap3A_20 = arith.constant 0 : i32
      %swap3A_21 = arith.index_cast %swap3A_20 : i32 to index
      %swap3A_22 = arith.constant 32 : index
      %swap3A_23 = tpu.vector_load %arg10[%swap3A_21, %swap3A_22] {strides = array<i32>} : memref<4x112xf32, #tpu.memory_space<vmem>>, vector<16xf32>,
      tpu.vector_store %arg10[%swap3A_21, %swap3A_22], %gather3A_19 {strides = array<i32>} : memref<4x112xf32, #tpu.memory_space<vmem>>, vector<16xf32>,
      %get3A_24 = arith.constant 48 : index
      %get3A_25 = tpu.vector_load %arg9[%get3A_24] {strides = array<i32>} : memref<128xi32, #tpu.memory_space<vmem>>, vector<16xi32>,
      %gather3A_26 = tpu.vector_load_idx %arg5[%get3A_25] : memref<4000xf32, #tpu.memory_space<vmem>>[vector<16xi32>], vector<16xf32>,
      %swap3A_27 = arith.constant 0 : i32
      %swap3A_28 = arith.index_cast %swap3A_27 : i32 to index
      %swap3A_29 = arith.constant 48 : index
      %swap3A_30 = tpu.vector_load %arg10[%swap3A_28, %swap3A_29] {strides = array<i32>} : memref<4x112xf32, #tpu.memory_space<vmem>>, vector<16xf32>,
      tpu.vector_store %arg10[%swap3A_28, %swap3A_29], %gather3A_26 {strides = array<i32>} : memref<4x112xf32, #tpu.memory_space<vmem>>, vector<16xf32>,
      %get3A_31 = arith.constant 64 : index
      %get3A_32 = tpu.vector_load %arg9[%get3A_31] {strides = array<i32>} : memref<128xi32, #tpu.memory_space<vmem>>, vector<16xi32>,
      %gather3A_33 = tpu.vector_load_idx %arg5[%get3A_32] : memref<4000xf32, #tpu.memory_space<vmem>>[vector<16xi32>], vector<16xf32>,
      %swap3A_34 = arith.constant 0 : i32
      %swap3A_35 = arith.index_cast %swap3A_34 : i32 to index
      %swap3A_36 = arith.constant 64 : index
      %swap3A_37 = tpu.vector_load %arg10[%swap3A_35, %swap3A_36] {strides = array<i32>} : memref<4x112xf32, #tpu.memory_space<vmem>>, vector<16xf32>,
      tpu.vector_store %arg10[%swap3A_35, %swap3A_36], %gather3A_33 {strides = array<i32>} : memref<4x112xf32, #tpu.memory_space<vmem>>, vector<16xf32>,
      %get3A_38 = arith.constant 80 : index
      %get3A_39 = tpu.vector_load %arg9[%get3A_38] {strides = array<i32>} : memref<128xi32, #tpu.memory_space<vmem>>, vector<16xi32>,
      %gather3A_40 = tpu.vector_load_idx %arg5[%get3A_39] : memref<4000xf32, #tpu.memory_space<vmem>>[vector<16xi32>], vector<16xf32>,
      %swap3A_41 = arith.constant 0 : i32
      %swap3A_42 = arith.index_cast %swap3A_41 : i32 to index
      %swap3A_43 = arith.constant 80 : index
      %swap3A_44 = tpu.vector_load %arg10[%swap3A_42, %swap3A_43] {strides = array<i32>} : memref<4x112xf32, #tpu.memory_space<vmem>>, vector<16xf32>,
      tpu.vector_store %arg10[%swap3A_42, %swap3A_43], %gather3A_40 {strides = array<i32>} : memref<4x112xf32, #tpu.memory_space<vmem>>, vector<16xf32>,
      %get3A_45 = arith.constant 96 : index
      %get3A_46 = tpu.vector_load %arg9[%get3A_45] {strides = array<i32>} : memref<128xi32, #tpu.memory_space<vmem>>, vector<16xi32>,
      %gather3A_47 = tpu.vector_load_idx %arg5[%get3A_46] : memref<4000xf32, #tpu.memory_space<vmem>>[vector<16xi32>], vector<16xf32>,
      %swap3A_48 = arith.constant 0 : i32
      %swap3A_49 = arith.index_cast %swap3A_48 : i32 to index
      %swap3A_50 = arith.constant 96 : index
      %swap3A_51 = tpu.vector_load %arg10[%swap3A_49, %swap3A_50] {strides = array<i32>} : memref<4x112xf32, #tpu.memory_space<vmem>>, vector<16xf32>,
      tpu.vector_store %arg10[%swap3A_49, %swap3A_50], %gather3A_47 {strides = array<i32>} : memref<4x112xf32, #tpu.memory_space<vmem>>, vector<16xf32>,
      %get3A_52 = arith.constant 0 : index
      %get3A_53 = tpu.vector_load %arg9[%get3A_52] {strides = array<i32>} : memref<128xi32, #tpu.memory_space<vmem>>, vector<16xi32>,
      %gather3A_54 = tpu.vector_load_idx %arg6[%get3A_53] : memref<4000xf32, #tpu.memory_space<vmem>>[vector<16xi32>], vector<16xf32>,
      %swap3A_55 = arith.constant 1 : i32
      %swap3A_56 = arith.index_cast %swap3A_55 : i32 to index
      %swap3A_57 = arith.constant 0 : index
      %swap3A_58 = tpu.vector_load %arg10[%swap3A_56, %swap3A_57] {strides = array<i32>} : memref<4x112xf32, #tpu.memory_space<vmem>>, vector<16xf32>,
      tpu.vector_store %arg10[%swap3A_56, %swap3A_57], %gather3A_54 {strides = array<i32>} : memref<4x112xf32, #tpu.memory_space<vmem>>, vector<16xf32>,
      %get3A_59 = arith.constant 16 : index
      %get3A_60 = tpu.vector_load %arg9[%get3A_59] {strides = array<i32>} : memref<128xi32, #tpu.memory_space<vmem>>, vector<16xi32>,
      %gather3A_61 = tpu.vector_load_idx %arg6[%get3A_60] : memref<4000xf32, #tpu.memory_space<vmem>>[vector<16xi32>], vector<16xf32>,
      %swap3A_62 = arith.constant 1 : i32
      %swap3A_63 = arith.index_cast %swap3A_62 : i32 to index
      %swap3A_64 = arith.constant 16 : index
      %swap3A_65 = tpu.vector_load %arg10[%swap3A_63, %swap3A_64] {strides = array<i32>} : memref<4x112xf32, #tpu.memory_space<vmem>>, vector<16xf32>,
      tpu.vector_store %arg10[%swap3A_63, %swap3A_64], %gather3A_61 {strides = array<i32>} : memref<4x112xf32, #tpu.memory_space<vmem>>, vector<16xf32>,
      %get3A_66 = arith.constant 32 : index
      %get3A_67 = tpu.vector_load %arg9[%get3A_66] {strides = array<i32>} : memref<128xi32, #tpu.memory_space<vmem>>, vector<16xi32>,
      %gather3A_68 = tpu.vector_load_idx %arg6[%get3A_67] : memref<4000xf32, #tpu.memory_space<vmem>>[vector<16xi32>], vector<16xf32>,
      %swap3A_69 = arith.constant 1 : i32
      %swap3A_70 = arith.index_cast %swap3A_69 : i32 to index
      %swap3A_71 = arith.constant 32 : index
      %swap3A_72 = tpu.vector_load %arg10[%swap3A_70, %swap3A_71] {strides = array<i32>} : memref<4x112xf32, #tpu.memory_space<vmem>>, vector<16xf32>,
      tpu.vector_store %arg10[%swap3A_70, %swap3A_71], %gather3A_68 {strides = array<i32>} : memref<4x112xf32, #tpu.memory_space<vmem>>, vector<16xf32>,
      %get3A_73 = arith.constant 48 : index
      %get3A_74 = tpu.vector_load %arg9[%get3A_73] {strides = array<i32>} : memref<128xi32, #tpu.memory_space<vmem>>, vector<16xi32>,
      %gather3A_75 = tpu.vector_load_idx %arg6[%get3A_74] : memref<4000xf32, #tpu.memory_space<vmem>>[vector<16xi32>], vector<16xf32>,
      %swap3A_76 = arith.constant 1 : i32
      %swap3A_77 = arith.index_cast %swap3A_76 : i32 to index
      %swap3A_78 = arith.constant 48 : index
      %swap3A_79 = tpu.vector_load %arg10[%swap3A_77, %swap3A_78] {strides = array<i32>} : memref<4x112xf32, #tpu.memory_space<vmem>>, vector<16xf32>,
      tpu.vector_store %arg10[%swap3A_77, %swap3A_78], %gather3A_75 {strides = array<i32>} : memref<4x112xf32, #tpu.memory_space<vmem>>, vector<16xf32>,
      %get3A_80 = arith.constant 64 : index
      %get3A_81 = tpu.vector_load %arg9[%get3A_80] {strides = array<i32>} : memref<128xi32, #tpu.memory_space<vmem>>, vector<16xi32>,
      %gather3A_82 = tpu.vector_load_idx %arg6[%get3A_81] : memref<4000xf32, #tpu.memory_space<vmem>>[vector<16xi32>], vector<16xf32>,
      %swap3A_83 = arith.constant 1 : i32
      %swap3A_84 = arith.index_cast %swap3A_83 : i32 to index
      %swap3A_85 = arith.constant 64 : index
      %swap3A_86 = tpu.vector_load %arg10[%swap3A_84, %swap3A_85] {strides = array<i32>} : memref<4x112xf32, #tpu.memory_space<vmem>>, vector<16xf32>,
      tpu.vector_store %arg10[%swap3A_84, %swap3A_85], %gather3A_82 {strides = array<i32>} : memref<4x112xf32, #tpu.memory_space<vmem>>, vector<16xf32>,
      %get3A_87 = arith.constant 80 : index
      %get3A_88 = tpu.vector_load %arg9[%get3A_87] {strides = array<i32>} : memref<128xi32, #tpu.memory_space<vmem>>, vector<16xi32>,
      %gather3A_89 = tpu.vector_load_idx %arg6[%get3A_88] : memref<4000xf32, #tpu.memory_space<vmem>>[vector<16xi32>], vector<16xf32>,
      %swap3A_90 = arith.constant 1 : i32
      %swap3A_91 = arith.index_cast %swap3A_90 : i32 to index
      %swap3A_92 = arith.constant 80 : index
      %swap3A_93 = tpu.vector_load %arg10[%swap3A_91, %swap3A_92] {strides = array<i32>} : memref<4x112xf32, #tpu.memory_space<vmem>>, vector<16xf32>,
      tpu.vector_store %arg10[%swap3A_91, %swap3A_92], %gather3A_89 {strides = array<i32>} : memref<4x112xf32, #tpu.memory_space<vmem>>, vector<16xf32>,
      %get3A_94 = arith.constant 96 : index
      %get3A_95 = tpu.vector_load %arg9[%get3A_94] {strides = array<i32>} : memref<128xi32, #tpu.memory_space<vmem>>, vector<16xi32>,
      %gather3A_96 = tpu.vector_load_idx %arg6[%get3A_95] : memref<4000xf32, #tpu.memory_space<vmem>>[vector<16xi32>], vector<16xf32>,
      %swap3A_97 = arith.constant 1 : i32
      %swap3A_98 = arith.index_cast %swap3A_97 : i32 to index
      %swap3A_99 = arith.constant 96 : index
      %swap3A_100 = tpu.vector_load %arg10[%swap3A_98, %swap3A_99] {strides = array<i32>} : memref<4x112xf32, #tpu.memory_space<vmem>>, vector<16xf32>,
      tpu.vector_store %arg10[%swap3A_98, %swap3A_99], %gather3A_96 {strides = array<i32>} : memref<4x112xf32, #tpu.memory_space<vmem>>, vector<16xf32>,
      %get3A_101 = arith.constant 0 : index
      %get3A_102 = tpu.vector_load %arg9[%get3A_101] {strides = array<i32>} : memref<128xi32, #tpu.memory_space<vmem>>, vector<16xi32>,
      %gather3A_103 = tpu.vector_load_idx %arg7[%get3A_102] : memref<4000xf32, #tpu.memory_space<vmem>>[vector<16xi32>], vector<16xf32>,
      %swap3A_104 = arith.constant 2 : i32
      %swap3A_105 = arith.index_cast %swap3A_104 : i32 to index
      %swap3A_106 = arith.constant 0 : index
      %swap3A_107 = tpu.vector_load %arg10[%swap3A_105, %swap3A_106] {strides = array<i32>} : memref<4x112xf32, #tpu.memory_space<vmem>>, vector<16xf32>,
      tpu.vector_store %arg10[%swap3A_105, %swap3A_106], %gather3A_103 {strides = array<i32>} : memref<4x112xf32, #tpu.memory_space<vmem>>, vector<16xf32>,
      %get3A_108 = arith.constant 16 : index
      %get3A_109 = tpu.vector_load %arg9[%get3A_108] {strides = array<i32>} : memref<128xi32, #tpu.memory_space<vmem>>, vector<16xi32>,
      %gather3A_110 = tpu.vector_load_idx %arg7[%get3A_109] : memref<4000xf32, #tpu.memory_space<vmem>>[vector<16xi32>], vector<16xf32>,
      %swap3A_111 = arith.constant 2 : i32
      %swap3A_112 = arith.index_cast %swap3A_111 : i32 to index
      %swap3A_113 = arith.constant 16 : index
      %swap3A_114 = tpu.vector_load %arg10[%swap3A_112, %swap3A_113] {strides = array<i32>} : memref<4x112xf32, #tpu.memory_space<vmem>>, vector<16xf32>,
      tpu.vector_store %arg10[%swap3A_112, %swap3A_113], %gather3A_110 {strides = array<i32>} : memref<4x112xf32, #tpu.memory_space<vmem>>, vector<16xf32>,
      %get3A_115 = arith.constant 32 : index
      %get3A_116 = tpu.vector_load %arg9[%get3A_115] {strides = array<i32>} : memref<128xi32, #tpu.memory_space<vmem>>, vector<16xi32>,
      %gather3A_117 = tpu.vector_load_idx %arg7[%get3A_116] : memref<4000xf32, #tpu.memory_space<vmem>>[vector<16xi32>], vector<16xf32>,
      %swap3A_118 = arith.constant 2 : i32
      %swap3A_119 = arith.index_cast %swap3A_118 : i32 to index
      %swap3A_120 = arith.constant 32 : index
      %swap3A_121 = tpu.vector_load %arg10[%swap3A_119, %swap3A_120] {strides = array<i32>} : memref<4x112xf32, #tpu.memory_space<vmem>>, vector<16xf32>,
      tpu.vector_store %arg10[%swap3A_119, %swap3A_120], %gather3A_117 {strides = array<i32>} : memref<4x112xf32, #tpu.memory_space<vmem>>, vector<16xf32>,
      %get3A_122 = arith.constant 48 : index
      %get3A_123 = tpu.vector_load %arg9[%get3A_122] {strides = array<i32>} : memref<128xi32, #tpu.memory_space<vmem>>, vector<16xi32>,
      %gather3A_124 = tpu.vector_load_idx %arg7[%get3A_123] : memref<4000xf32, #tpu.memory_space<vmem>>[vector<16xi32>], vector<16xf32>,
      %swap3A_125 = arith.constant 2 : i32
      %swap3A_126 = arith.index_cast %swap3A_125 : i32 to index
      %swap3A_127 = arith.constant 48 : index
      %swap3A_128 = tpu.vector_load %arg10[%swap3A_126, %swap3A_127] {strides = array<i32>} : memref<4x112xf32, #tpu.memory_space<vmem>>, vector<16xf32>,
      tpu.vector_store %arg10[%swap3A_126, %swap3A_127], %gather3A_124 {strides = array<i32>} : memref<4x112xf32, #tpu.memory_space<vmem>>, vector<16xf32>,
      %get3A_129 = arith.constant 64 : index
      %get3A_130 = tpu.vector_load %arg9[%get3A_129] {strides = array<i32>} : memref<128xi32, #tpu.memory_space<vmem>>, vector<16xi32>,
      %gather3A_131 = tpu.vector_load_idx %arg7[%get3A_130] : memref<4000xf32, #tpu.memory_space<vmem>>[vector<16xi32>], vector<16xf32>,
      %swap3A_132 = arith.constant 2 : i32
      %swap3A_133 = arith.index_cast %swap3A_132 : i32 to index
      %swap3A_134 = arith.constant 64 : index
      %swap3A_135 = tpu.vector_load %arg10[%swap3A_133, %swap3A_134] {strides = array<i32>} : memref<4x112xf32, #tpu.memory_space<vmem>>, vector<16xf32>,
      tpu.vector_store %arg10[%swap3A_133, %swap3A_134], %gather3A_131 {strides = array<i32>} : memref<4x112xf32, #tpu.memory_space<vmem>>, vector<16xf32>,
      %get3A_136 = arith.constant 80 : index
      %get3A_137 = tpu.vector_load %arg9[%get3A_136] {strides = array<i32>} : memref<128xi32, #tpu.memory_space<vmem>>, vector<16xi32>,
      %gather3A_138 = tpu.vector_load_idx %arg7[%get3A_137] : memref<4000xf32, #tpu.memory_space<vmem>>[vector<16xi32>], vector<16xf32>,
      %swap3A_139 = arith.constant 2 : i32
      %swap3A_140 = arith.index_cast %swap3A_139 : i32 to index
      %swap3A_141 = arith.constant 80 : index
      %swap3A_142 = tpu.vector_load %arg10[%swap3A_140, %swap3A_141] {strides = array<i32>} : memref<4x112xf32, #tpu.memory_space<vmem>>, vector<16xf32>,
      tpu.vector_store %arg10[%swap3A_140, %swap3A_141], %gather3A_138 {strides = array<i32>} : memref<4x112xf32, #tpu.memory_space<vmem>>, vector<16xf32>,
      %get3A_143 = arith.constant 96 : index
      %get3A_144 = tpu.vector_load %arg9[%get3A_143] {strides = array<i32>} : memref<128xi32, #tpu.memory_space<vmem>>, vector<16xi32>,
      %gather3A_145 = tpu.vector_load_idx %arg7[%get3A_144] : memref<4000xf32, #tpu.memory_space<vmem>>[vector<16xi32>], vector<16xf32>,
      %swap3A_146 = arith.constant 2 : i32
      %swap3A_147 = arith.index_cast %swap3A_146 : i32 to index
      %swap3A_148 = arith.constant 96 : index
      %swap3A_149 = tpu.vector_load %arg10[%swap3A_147, %swap3A_148] {strides = array<i32>} : memref<4x112xf32, #tpu.memory_space<vmem>>, vector<16xf32>,
      tpu.vector_store %arg10[%swap3A_147, %swap3A_148], %gather3A_145 {strides = array<i32>} : memref<4x112xf32, #tpu.memory_space<vmem>>, vector<16xf32>,
      %get3A_150 = arith.constant 0 : index
      %get3A_151 = tpu.vector_load %arg9[%get3A_150] {strides = array<i32>} : memref<128xi32, #tpu.memory_space<vmem>>, vector<16xi32>,
      %gather3A_152 = tpu.vector_load_idx %arg8[%get3A_151] : memref<4000xf32, #tpu.memory_space<vmem>>[vector<16xi32>], vector<16xf32>,
      %swap3A_153 = arith.constant 3 : i32
      %swap3A_154 = arith.index_cast %swap3A_153 : i32 to index
      %swap3A_155 = arith.constant 0 : index
      %swap3A_156 = tpu.vector_load %arg10[%swap3A_154, %swap3A_155] {strides = array<i32>} : memref<4x112xf32, #tpu.memory_space<vmem>>, vector<16xf32>,
      tpu.vector_store %arg10[%swap3A_154, %swap3A_155], %gather3A_152 {strides = array<i32>} : memref<4x112xf32, #tpu.memory_space<vmem>>, vector<16xf32>,
      %get3A_157 = arith.constant 16 : index
      %get3A_158 = tpu.vector_load %arg9[%get3A_157] {strides = array<i32>} : memref<128xi32, #tpu.memory_space<vmem>>, vector<16xi32>,
      %gather3A_159 = tpu.vector_load_idx %arg8[%get3A_158] : memref<4000xf32, #tpu.memory_space<vmem>>[vector<16xi32>], vector<16xf32>,
      %swap3A_160 = arith.constant 3 : i32
      %swap3A_161 = arith.index_cast %swap3A_160 : i32 to index
      %swap3A_162 = arith.constant 16 : index
      %swap3A_163 = tpu.vector_load %arg10[%swap3A_161, %swap3A_162] {strides = array<i32>} : memref<4x112xf32, #tpu.memory_space<vmem>>, vector<16xf32>,
      tpu.vector_store %arg10[%swap3A_161, %swap3A_162], %gather3A_159 {strides = array<i32>} : memref<4x112xf32, #tpu.memory_space<vmem>>, vector<16xf32>,
      %get3A_164 = arith.constant 32 : index
      %get3A_165 = tpu.vector_load %arg9[%get3A_164] {strides = array<i32>} : memref<128xi32, #tpu.memory_space<vmem>>, vector<16xi32>,
      %gather3A_166 = tpu.vector_load_idx %arg8[%get3A_165] : memref<4000xf32, #tpu.memory_space<vmem>>[vector<16xi32>], vector<16xf32>,
      %swap3A_167 = arith.constant 3 : i32
      %swap3A_168 = arith.index_cast %swap3A_167 : i32 to index
      %swap3A_169 = arith.constant 32 : index
      %swap3A_170 = tpu.vector_load %arg10[%swap3A_168, %swap3A_169] {strides = array<i32>} : memref<4x112xf32, #tpu.memory_space<vmem>>, vector<16xf32>,
      tpu.vector_store %arg10[%swap3A_168, %swap3A_169], %gather3A_166 {strides = array<i32>} : memref<4x112xf32, #tpu.memory_space<vmem>>, vector<16xf32>,
      %get3A_171 = arith.constant 48 : index
      %get3A_172 = tpu.vector_load %arg9[%get3A_171] {strides = array<i32>} : memref<128xi32, #tpu.memory_space<vmem>>, vector<16xi32>,
      %gather3A_173 = tpu.vector_load_idx %arg8[%get3A_172] : memref<4000xf32, #tpu.memory_space<vmem>>[vector<16xi32>], vector<16xf32>,
      %swap3A_174 = arith.constant 3 : i32
      %swap3A_175 = arith.index_cast %swap3A_174 : i32 to index
      %swap3A_176 = arith.constant 48 : index
      %swap3A_177 = tpu.vector_load %arg10[%swap3A_175, %swap3A_176] {strides = array<i32>} : memref<4x112xf32, #tpu.memory_space<vmem>>, vector<16xf32>,
      tpu.vector_store %arg10[%swap3A_175, %swap3A_176], %gather3A_173 {strides = array<i32>} : memref<4x112xf32, #tpu.memory_space<vmem>>, vector<16xf32>,
      %get3A_178 = arith.constant 64 : index
      %get3A_179 = tpu.vector_load %arg9[%get3A_178] {strides = array<i32>} : memref<128xi32, #tpu.memory_space<vmem>>, vector<16xi32>,
      %gather3A_180 = tpu.vector_load_idx %arg8[%get3A_179] : memref<4000xf32, #tpu.memory_space<vmem>>[vector<16xi32>], vector<16xf32>,
      %swap3A_181 = arith.constant 3 : i32
      %swap3A_182 = arith.index_cast %swap3A_181 : i32 to index
      %swap3A_183 = arith.constant 64 : index
      %swap3A_184 = tpu.vector_load %arg10[%swap3A_182, %swap3A_183] {strides = array<i32>} : memref<4x112xf32, #tpu.memory_space<vmem>>, vector<16xf32>,
      tpu.vector_store %arg10[%swap3A_182, %swap3A_183], %gather3A_180 {strides = array<i32>} : memref<4x112xf32, #tpu.memory_space<vmem>>, vector<16xf32>,
      %get3A_185 = arith.constant 80 : index
      %get3A_186 = tpu.vector_load %arg9[%get3A_185] {strides = array<i32>} : memref<128xi32, #tpu.memory_space<vmem>>, vector<16xi32>,
      %gather3A_187 = tpu.vector_load_idx %arg8[%get3A_186] : memref<4000xf32, #tpu.memory_space<vmem>>[vector<16xi32>], vector<16xf32>,
      %swap3A_188 = arith.constant 3 : i32
      %swap3A_189 = arith.index_cast %swap3A_188 : i32 to index
      %swap3A_190 = arith.constant 80 : index
      %swap3A_191 = tpu.vector_load %arg10[%swap3A_189, %swap3A_190] {strides = array<i32>} : memref<4x112xf32, #tpu.memory_space<vmem>>, vector<16xf32>,
      tpu.vector_store %arg10[%swap3A_189, %swap3A_190], %gather3A_187 {strides = array<i32>} : memref<4x112xf32, #tpu.memory_space<vmem>>, vector<16xf32>,
      %get3A_192 = arith.constant 96 : index
      %get3A_193 = tpu.vector_load %arg9[%get3A_192] {strides = array<i32>} : memref<128xi32, #tpu.memory_space<vmem>>, vector<16xi32>,
      %gather3A_194 = tpu.vector_load_idx %arg8[%get3A_193] : memref<4000xf32, #tpu.memory_space<vmem>>[vector<16xi32>], vector<16xf32>,
      %swap3A_195 = arith.constant 3 : i32
      %swap3A_196 = arith.index_cast %swap3A_195 : i32 to index
      %swap3A_197 = arith.constant 96 : index
      %swap3A_198 = tpu.vector_load %arg10[%swap3A_196, %swap3A_197] {strides = array<i32>} : memref<4x112xf32, #tpu.memory_space<vmem>>, vector<16xf32>,
      tpu.vector_store %arg10[%swap3A_196, %swap3A_197], %gather3A_194 {strides = array<i32>} : memref<4x112xf32, #tpu.memory_space<vmem>>, vector<16xf32>,
      "tpu.region"() ({
        %run_scoped3A_199 = tpu.sem_alloc : memref<!tpu.dma_semaphore, #tpu.memory_space<semaphore_mem>>
        %dma_start3A = arith.constant 0 : i32
        %dma_start3A_200 = arith.constant 0 : i32
        %dma_start3A_201 = tpu.memref_slice %arg4[%add3A, %dma_start3A, %dma_start3A_200] : memref<16x4x112xf32, #tpu.memory_space<hbm>> -> memref<1x4x112xf32, #tpu.memory_space<hbm>>
        %dma_start3A_202 = tpu.memref_squeeze %dma_start3A_201 : memref<1x4x112xf32, #tpu.memory_space<hbm>> -> memref<4x112xf32, #tpu.memory_space<hbm>>
        %dma_start3A_203 = arith.constant 0 : i32
        %dma_start3A_204 = arith.constant 0 : i32
        %dma_start3A_205 = tpu.memref_slice %arg4[%add3A, %dma_start3A_203, %dma_start3A_204] : memref<16x4x112xf32, #tpu.memory_space<hbm>> -> memref<1x4x112xf32, #tpu.memory_space<hbm>>
        %dma_start3A_206 = tpu.memref_squeeze %dma_start3A_205 : memref<1x4x112xf32, #tpu.memory_space<hbm>> -> memref<4x112xf32, #tpu.memory_space<hbm>>
        tpu.enqueue_dma source(%arg10 : memref<4x112xf32, #tpu.memory_space<vmem>>) target(%dma_start3A_206 : memref<4x112xf32, #tpu.memory_space<hbm>>) target_semaphore(%run_scoped3A_199 : memref<!tpu.dma_semaphore, #tpu.memory_space<semaphore_mem>>)
        %dma_wait3A = arith.constant 0 : i32
        %dma_wait3A_207 = arith.constant 0 : i32
        %dma_wait3A_208 = tpu.memref_slice %arg4[%add3A, %dma_wait3A, %dma_wait3A_207] : memref<16x4x112xf32, #tpu.memory_space<hbm>> -> memref<1x4x112xf32, #tpu.memory_space<hbm>>
        %dma_wait3A_209 = tpu.memref_squeeze %dma_wait3A_208 : memref<1x4x112xf32, #tpu.memory_space<hbm>> -> memref<4x112xf32, #tpu.memory_space<hbm>>
        %dma_wait3A_210 = arith.constant 0 : i32
        %dma_wait3A_211 = arith.constant 0 : i32
        %dma_wait3A_212 = tpu.memref_slice %arg4[%add3A, %dma_wait3A_210, %dma_wait3A_211] : memref<16x4x112xf32, #tpu.memory_space<hbm>> -> memref<1x4x112xf32, #tpu.memory_space<hbm>>
        %dma_wait3A_213 = tpu.memref_squeeze %dma_wait3A_212 : memref<1x4x112xf32, #tpu.memory_space<hbm>> -> memref<4x112xf32, #tpu.memory_space<hbm>>
        tpu.wait_dma2 semaphore(%run_scoped3A_199 : memref<!tpu.dma_semaphore, #tpu.memory_space<semaphore_mem>>) src(%arg10 : memref<4x112xf32, #tpu.memory_space<vmem>>) dst(%dma_wait3A_213 : memref<4x112xf32, #tpu.memory_space<hbm>>)
        tpu.yield
      }) : () -> ()
    } else {
    }
    return
  }
}

module attributes {stable_mosaic.version = 14 : i64} {
  func.func @_feat_body(%arg0: i32, %arg1: memref<8x512x512xf32, #tpu.memory_space<vmem>>, %arg2: memref<2x262144xf32, #tpu.memory_space<vmem>>, %arg3: memref<8x2xf32, #tpu.memory_space<vmem>>) attributes {dimension_semantics = [#tpu.dimension_semantics<arbitrary>], iteration_bounds = array<i64: 6>, scalar_prefetch = 0 : i64, scratch_operands = 0 : i64, tpu.core_type = #tpu.core_type<tc>, window_params = [{transform_indices = @transform_0, window_bounds = array<i64: 8, 512, 512>}, {pipeline_mode = #tpu.pipeline_mode<synchronous>, transform_indices = @transform_1, window_bounds = array<i64: 2, 262144>}, {transform_indices = @transform_2, window_bounds = array<i64: 8, 2>}]} {
    %get3A = arith.constant 0 : index
    %get3A_0 = arith.constant 0 : index
    %get3A_1 = arith.constant 0 : index
    %get3A_2 = vector.load %arg1[%get3A, %get3A_0, %get3A_1] : memref<8x512x512xf32, #tpu.memory_space<vmem>>, vector<8x512x512xf32>
    %reshape3A = vector.shape_cast %get3A_2 : vector<8x512x512xf32> to vector<8x262144xf32>
    %get3A_3 = arith.constant 0 : index
    %get3A_4 = arith.constant 0 : index
    %get3A_5 = vector.load %arg2[%get3A_3, %get3A_4] : memref<2x262144xf32, #tpu.memory_space<vmem>>, vector<2x262144xf32>
    %dot_general3A = arith.constant dense<0.000000e+00> : vector<8x2xf32>
    %dot_general3A_6 = tpu.matmul %reshape3A, %get3A_5, %dot_general3A {dimension_numbers = #tpu.dot_dimension_numbers<[1], [1], [0], [0], [0, 0, 1, 0], [], []>, transpose_lhs_hint = false} : vector<8x262144xf32>, vector<2x262144xf32>, vector<8x2xf32> -> vector<8x2xf32>
    %swap3A = arith.constant 0 : index
    %swap3A_7 = arith.constant 0 : index
    %swap3A_8 = vector.load %arg3[%swap3A, %swap3A_7] : memref<8x2xf32, #tpu.memory_space<vmem>>, vector<8x2xf32>
    tpu.vector_store %arg3[%swap3A, %swap3A_7], %dot_general3A_6 {strides = array<i32>} : memref<8x2xf32, #tpu.memory_space<vmem>>, vector<8x2xf32>,
    return
  }
  func.func @transform_0(%arg0: i32) -> (i32, i32, i32) {
    %c0_i32 = arith.constant 0 : i32
    %c0_i32_0 = arith.constant 0 : i32
    %c0_i32_1 = arith.constant 0 : i32
    return %arg0, %c0_i32, %c0_i32_0 : i32, i32, i32
  }
  func.func @transform_1(%arg0: i32) -> (i32, i32) {
    %c0_i32 = arith.constant 0 : i32
    %c0_i32_0 = arith.constant 0 : i32
    %c0_i32_1 = arith.constant 0 : i32
    return %c0_i32, %c0_i32_0 : i32, i32
  }
  func.func @transform_2(%arg0: i32) -> (i32, i32) {
    %c0_i32 = arith.constant 0 : i32
    %c0_i32_0 = arith.constant 0 : i32
    return %arg0, %c0_i32 : i32, i32
  }
}

module attributes {stable_mosaic.version = 14 : i64} {
  func.func @_headtopk_body(%arg0: memref<16x3xf32, #tpu.memory_space<vmem>>, %arg1: memref<16x3xf32, #tpu.memory_space<vmem>>, %arg2: memref<3x4000xf32, #tpu.memory_space<vmem>>, %arg3: memref<1x4000xf32, #tpu.memory_space<vmem>>, %arg4: memref<12x4000xf32, #tpu.memory_space<vmem>>, %arg5: memref<4x4000xf32, #tpu.memory_space<vmem>>, %arg6: memref<16x100xf32, #tpu.memory_space<vmem>>, %arg7: memref<16x100xi32, #tpu.memory_space<vmem>>, %arg8: memref<16x128xi32, #tpu.memory_space<vmem>>, %arg9: memref<4x16x4000xf32, #tpu.memory_space<vmem>>) attributes {dimension_semantics = [], scalar_prefetch = 0 : i64, scratch_operands = 0 : i64, tpu.core_type = #tpu.core_type<tc>} {
    %get3A = arith.constant 0 : index
    %get3A_0 = arith.constant 0 : index
    %get3A_1 = vector.load %arg0[%get3A, %get3A_0] : memref<16x3xf32, #tpu.memory_space<vmem>>, vector<16x3xf32>
    %get3A_2 = arith.constant 0 : index
    %get3A_3 = arith.constant 0 : index
    %get3A_4 = vector.load %arg1[%get3A_2, %get3A_3] : memref<16x3xf32, #tpu.memory_space<vmem>>, vector<16x3xf32>
    %get3A_5 = arith.constant 0 : index
    %get3A_6 = arith.constant 0 : index
    %get3A_7 = vector.load %arg2[%get3A_5, %get3A_6] : memref<3x4000xf32, #tpu.memory_space<vmem>>, vector<3x4000xf32>
    %get3A_8 = arith.constant 0 : index
    %get3A_9 = arith.constant 0 : index
    %get3A_10 = vector.load %arg3[%get3A_8, %get3A_9] : memref<1x4000xf32, #tpu.memory_space<vmem>>, vector<1x4000xf32>
    %dot_general3A = arith.constant dense<0.000000e+00> : vector<16x4000xf32>
    %dot_general3A_11 = tpu.matmul %get3A_1, %get3A_7, %dot_general3A {dimension_numbers = #tpu.dot_dimension_numbers<[1], [0], [0], [1], [0, 0, 1, 1], [], []>, transpose_lhs_hint = false} : vector<16x3xf32>, vector<3x4000xf32>, vector<16x4000xf32> -> vector<16x4000xf32>
    %add3A = vector.broadcast %get3A_10 : vector<1x4000xf32> to vector<16x4000xf32>
    %add3A_12 = arith.addf %dot_general3A_11, %add3A : vector<16x4000xf32>
    %dot_general3A_13 = arith.constant dense<0.000000e+00> : vector<16x4000xf32>
    %dot_general3A_14 = tpu.matmul %get3A_4, %get3A_7, %dot_general3A_13 {dimension_numbers = #tpu.dot_dimension_numbers<[1], [0], [0], [1], [0, 0, 1, 1], [], []>, transpose_lhs_hint = false} : vector<16x3xf32>, vector<3x4000xf32>, vector<16x4000xf32> -> vector<16x4000xf32>
    %add3A_15 = vector.broadcast %get3A_10 : vector<1x4000xf32> to vector<16x4000xf32>
    %add3A_16 = arith.addf %dot_general3A_14, %add3A_15 : vector<16x4000xf32>
    %tanh3A = math.tanh %add3A_12 : vector<16x4000xf32>
    %tanh3A_17 = math.tanh %add3A_16 : vector<16x4000xf32>
    %add3A_18 = arith.addf %tanh3A, %tanh3A_17 : vector<16x4000xf32>
    %mul3A = arith.constant 5.000000e-01 : f32
    %mul3A_19 = vector.broadcast %mul3A : f32 to vector<16x4000xf32>
    %mul3A_20 = arith.mulf %mul3A_19, %add3A_18 : vector<16x4000xf32>
    %logistic3A = arith.negf %mul3A_20 : vector<16x4000xf32>
    %logistic3A_21 = math.exp %logistic3A : vector<16x4000xf32>
    %logistic3A_22 = arith.constant 1.000000e+00 : f32
    %logistic3A_23 = vector.broadcast %logistic3A_22 : f32 to vector<16x4000xf32>
    %logistic3A_24 = arith.addf %logistic3A_23, %logistic3A_21 : vector<16x4000xf32>
    %logistic3A_25 = arith.divf %logistic3A_23, %logistic3A_24 : vector<16x4000xf32>
    %get3A_26 = arith.constant 0 : index
    %get3A_27 = arith.constant 0 : index
    %get3A_28 = vector.load %arg4[%get3A_26, %get3A_27] : memref<12x4000xf32, #tpu.memory_space<vmem>>, vector<3x4000xf32>
    %get3A_29 = arith.constant 0 : index
    %get3A_30 = arith.constant 0 : index
    %get3A_31 = vector.load %arg5[%get3A_29, %get3A_30] : memref<4x4000xf32, #tpu.memory_space<vmem>>, vector<1x4000xf32>
    %dot_general3A_32 = arith.constant dense<0.000000e+00> : vector<16x4000xf32>
    %dot_general3A_33 = tpu.matmul %get3A_1, %get3A_28, %dot_general3A_32 {dimension_numbers = #tpu.dot_dimension_numbers<[1], [0], [0], [1], [0, 0, 1, 1], [], []>, transpose_lhs_hint = false} : vector<16x3xf32>, vector<3x4000xf32>, vector<16x4000xf32> -> vector<16x4000xf32>
    %add3A_34 = vector.broadcast %get3A_31 : vector<1x4000xf32> to vector<16x4000xf32>
    %add3A_35 = arith.addf %dot_general3A_33, %add3A_34 : vector<16x4000xf32>
    %dot_general3A_36 = arith.constant dense<0.000000e+00> : vector<16x4000xf32>
    %dot_general3A_37 = tpu.matmul %get3A_4, %get3A_28, %dot_general3A_36 {dimension_numbers = #tpu.dot_dimension_numbers<[1], [0], [0], [1], [0, 0, 1, 1], [], []>, transpose_lhs_hint = false} : vector<16x3xf32>, vector<3x4000xf32>, vector<16x4000xf32> -> vector<16x4000xf32>
    %add3A_38 = vector.broadcast %get3A_31 : vector<1x4000xf32> to vector<16x4000xf32>
    %add3A_39 = arith.addf %dot_general3A_37, %add3A_38 : vector<16x4000xf32>
    %tanh3A_40 = math.tanh %add3A_35 : vector<16x4000xf32>
    %tanh3A_41 = math.tanh %add3A_39 : vector<16x4000xf32>
    %add3A_42 = arith.addf %tanh3A_40, %tanh3A_41 : vector<16x4000xf32>
    %mul3A_43 = arith.constant 5.000000e-01 : f32
    %mul3A_44 = vector.broadcast %mul3A_43 : f32 to vector<16x4000xf32>
    %mul3A_45 = arith.mulf %mul3A_44, %add3A_42 : vector<16x4000xf32>
    %mul3A_46 = arith.constant 5.120000e+02 : f32
    %mul3A_47 = vector.broadcast %mul3A_46 : f32 to vector<16x4000xf32>
    %mul3A_48 = arith.mulf %mul3A_45, %mul3A_47 : vector<16x4000xf32>
    %swap3A = arith.constant 0 : index
    %swap3A_49 = arith.constant 0 : index
    %swap3A_50 = arith.constant 0 : index
    %swap3A_51 = vector.load %arg9[%swap3A, %swap3A_49, %swap3A_50] : memref<4x16x4000xf32, #tpu.memory_space<vmem>>, vector<1x16x4000xf32>
    %swap3A_52 = vector.shape_cast %swap3A_51 : vector<1x16x4000xf32> to vector<16x4000xf32>
    %swap3A_53 = vector.shape_cast %mul3A_48 : vector<16x4000xf32> to vector<1x16x4000xf32>
    tpu.vector_store %arg9[%swap3A, %swap3A_49, %swap3A_50], %swap3A_53 {strides = array<i32>} : memref<4x16x4000xf32, #tpu.memory_space<vmem>>, vector<1x16x4000xf32>,
    %get3A_54 = arith.constant 3 : index
    %get3A_55 = arith.constant 0 : index
    %get3A_56 = vector.load %arg4[%get3A_54, %get3A_55] : memref<12x4000xf32, #tpu.memory_space<vmem>>, vector<3x4000xf32>
    %get3A_57 = arith.constant 1 : index
    %get3A_58 = arith.constant 0 : index
    %get3A_59 = vector.load %arg5[%get3A_57, %get3A_58] : memref<4x4000xf32, #tpu.memory_space<vmem>>, vector<1x4000xf32>
    %dot_general3A_60 = arith.constant dense<0.000000e+00> : vector<16x4000xf32>
    %dot_general3A_61 = tpu.matmul %get3A_1, %get3A_56, %dot_general3A_60 {dimension_numbers = #tpu.dot_dimension_numbers<[1], [0], [0], [1], [0, 0, 1, 1], [], []>, transpose_lhs_hint = false} : vector<16x3xf32>, vector<3x4000xf32>, vector<16x4000xf32> -> vector<16x4000xf32>
    %add3A_62 = vector.broadcast %get3A_59 : vector<1x4000xf32> to vector<16x4000xf32>
    %add3A_63 = arith.addf %dot_general3A_61, %add3A_62 : vector<16x4000xf32>
    %dot_general3A_64 = arith.constant dense<0.000000e+00> : vector<16x4000xf32>
    %dot_general3A_65 = tpu.matmul %get3A_4, %get3A_56, %dot_general3A_64 {dimension_numbers = #tpu.dot_dimension_numbers<[1], [0], [0], [1], [0, 0, 1, 1], [], []>, transpose_lhs_hint = false} : vector<16x3xf32>, vector<3x4000xf32>, vector<16x4000xf32> -> vector<16x4000xf32>
    %add3A_66 = vector.broadcast %get3A_59 : vector<1x4000xf32> to vector<16x4000xf32>
    %add3A_67 = arith.addf %dot_general3A_65, %add3A_66 : vector<16x4000xf32>
    %tanh3A_68 = math.tanh %add3A_63 : vector<16x4000xf32>
    %tanh3A_69 = math.tanh %add3A_67 : vector<16x4000xf32>
    %add3A_70 = arith.addf %tanh3A_68, %tanh3A_69 : vector<16x4000xf32>
    %mul3A_71 = arith.constant 5.000000e-01 : f32
    %mul3A_72 = vector.broadcast %mul3A_71 : f32 to vector<16x4000xf32>
    %mul3A_73 = arith.mulf %mul3A_72, %add3A_70 : vector<16x4000xf32>
    %mul3A_74 = arith.constant 5.120000e+02 : f32
    %mul3A_75 = vector.broadcast %mul3A_74 : f32 to vector<16x4000xf32>
    %mul3A_76 = arith.mulf %mul3A_73, %mul3A_75 : vector<16x4000xf32>
    %swap3A_77 = arith.constant 1 : index
    %swap3A_78 = arith.constant 0 : index
    %swap3A_79 = arith.constant 0 : index
    %swap3A_80 = vector.load %arg9[%swap3A_77, %swap3A_78, %swap3A_79] : memref<4x16x4000xf32, #tpu.memory_space<vmem>>, vector<1x16x4000xf32>
    %swap3A_81 = vector.shape_cast %swap3A_80 : vector<1x16x4000xf32> to vector<16x4000xf32>
    %swap3A_82 = vector.shape_cast %mul3A_76 : vector<16x4000xf32> to vector<1x16x4000xf32>
    tpu.vector_store %arg9[%swap3A_77, %swap3A_78, %swap3A_79], %swap3A_82 {strides = array<i32>} : memref<4x16x4000xf32, #tpu.memory_space<vmem>>, vector<1x16x4000xf32>,
    %get3A_83 = arith.constant 6 : index
    %get3A_84 = arith.constant 0 : index
    %get3A_85 = vector.load %arg4[%get3A_83, %get3A_84] : memref<12x4000xf32, #tpu.memory_space<vmem>>, vector<3x4000xf32>
    %get3A_86 = arith.constant 2 : index
    %get3A_87 = arith.constant 0 : index
    %get3A_88 = vector.load %arg5[%get3A_86, %get3A_87] : memref<4x4000xf32, #tpu.memory_space<vmem>>, vector<1x4000xf32>
    %dot_general3A_89 = arith.constant dense<0.000000e+00> : vector<16x4000xf32>
    %dot_general3A_90 = tpu.matmul %get3A_1, %get3A_85, %dot_general3A_89 {dimension_numbers = #tpu.dot_dimension_numbers<[1], [0], [0], [1], [0, 0, 1, 1], [], []>, transpose_lhs_hint = false} : vector<16x3xf32>, vector<3x4000xf32>, vector<16x4000xf32> -> vector<16x4000xf32>
    %add3A_91 = vector.broadcast %get3A_88 : vector<1x4000xf32> to vector<16x4000xf32>
    %add3A_92 = arith.addf %dot_general3A_90, %add3A_91 : vector<16x4000xf32>
    %dot_general3A_93 = arith.constant dense<0.000000e+00> : vector<16x4000xf32>
    %dot_general3A_94 = tpu.matmul %get3A_4, %get3A_85, %dot_general3A_93 {dimension_numbers = #tpu.dot_dimension_numbers<[1], [0], [0], [1], [0, 0, 1, 1], [], []>, transpose_lhs_hint = false} : vector<16x3xf32>, vector<3x4000xf32>, vector<16x4000xf32> -> vector<16x4000xf32>
    %add3A_95 = vector.broadcast %get3A_88 : vector<1x4000xf32> to vector<16x4000xf32>
    %add3A_96 = arith.addf %dot_general3A_94, %add3A_95 : vector<16x4000xf32>
    %tanh3A_97 = math.tanh %add3A_92 : vector<16x4000xf32>
    %tanh3A_98 = math.tanh %add3A_96 : vector<16x4000xf32>
    %add3A_99 = arith.addf %tanh3A_97, %tanh3A_98 : vector<16x4000xf32>
    %mul3A_100 = arith.constant 5.000000e-01 : f32
    %mul3A_101 = vector.broadcast %mul3A_100 : f32 to vector<16x4000xf32>
    %mul3A_102 = arith.mulf %mul3A_101, %add3A_99 : vector<16x4000xf32>
    %mul3A_103 = arith.constant 5.120000e+02 : f32
    %mul3A_104 = vector.broadcast %mul3A_103 : f32 to vector<16x4000xf32>
    %mul3A_105 = arith.mulf %mul3A_102, %mul3A_104 : vector<16x4000xf32>
    %swap3A_106 = arith.constant 2 : index
    %swap3A_107 = arith.constant 0 : index
    %swap3A_108 = arith.constant 0 : index
    %swap3A_109 = vector.load %arg9[%swap3A_106, %swap3A_107, %swap3A_108] : memref<4x16x4000xf32, #tpu.memory_space<vmem>>, vector<1x16x4000xf32>
    %swap3A_110 = vector.shape_cast %swap3A_109 : vector<1x16x4000xf32> to vector<16x4000xf32>
    %swap3A_111 = vector.shape_cast %mul3A_105 : vector<16x4000xf32> to vector<1x16x4000xf32>
    tpu.vector_store %arg9[%swap3A_106, %swap3A_107, %swap3A_108], %swap3A_111 {strides = array<i32>} : memref<4x16x4000xf32, #tpu.memory_space<vmem>>, vector<1x16x4000xf32>,
    %get3A_112 = arith.constant 9 : index
    %get3A_113 = arith.constant 0 : index
    %get3A_114 = vector.load %arg4[%get3A_112, %get3A_113] : memref<12x4000xf32, #tpu.memory_space<vmem>>, vector<3x4000xf32>
    %get3A_115 = arith.constant 3 : index
    %get3A_116 = arith.constant 0 : index
    %get3A_117 = vector.load %arg5[%get3A_115, %get3A_116] : memref<4x4000xf32, #tpu.memory_space<vmem>>, vector<1x4000xf32>
    %dot_general3A_118 = arith.constant dense<0.000000e+00> : vector<16x4000xf32>
    %dot_general3A_119 = tpu.matmul %get3A_1, %get3A_114, %dot_general3A_118 {dimension_numbers = #tpu.dot_dimension_numbers<[1], [0], [0], [1], [0, 0, 1, 1], [], []>, transpose_lhs_hint = false} : vector<16x3xf32>, vector<3x4000xf32>, vector<16x4000xf32> -> vector<16x4000xf32>
    %add3A_120 = vector.broadcast %get3A_117 : vector<1x4000xf32> to vector<16x4000xf32>
    %add3A_121 = arith.addf %dot_general3A_119, %add3A_120 : vector<16x4000xf32>
    %dot_general3A_122 = arith.constant dense<0.000000e+00> : vector<16x4000xf32>
    %dot_general3A_123 = tpu.matmul %get3A_4, %get3A_114, %dot_general3A_122 {dimension_numbers = #tpu.dot_dimension_numbers<[1], [0], [0], [1], [0, 0, 1, 1], [], []>, transpose_lhs_hint = false} : vector<16x3xf32>, vector<3x4000xf32>, vector<16x4000xf32> -> vector<16x4000xf32>
    %add3A_124 = vector.broadcast %get3A_117 : vector<1x4000xf32> to vector<16x4000xf32>
    %add3A_125 = arith.addf %dot_general3A_123, %add3A_124 : vector<16x4000xf32>
    %tanh3A_126 = math.tanh %add3A_121 : vector<16x4000xf32>
    %tanh3A_127 = math.tanh %add3A_125 : vector<16x4000xf32>
    %add3A_128 = arith.addf %tanh3A_126, %tanh3A_127 : vector<16x4000xf32>
    %mul3A_129 = arith.constant 5.000000e-01 : f32
    %mul3A_130 = vector.broadcast %mul3A_129 : f32 to vector<16x4000xf32>
    %mul3A_131 = arith.mulf %mul3A_130, %add3A_128 : vector<16x4000xf32>
    %mul3A_132 = arith.constant 5.120000e+02 : f32
    %mul3A_133 = vector.broadcast %mul3A_132 : f32 to vector<16x4000xf32>
    %mul3A_134 = arith.mulf %mul3A_131, %mul3A_133 : vector<16x4000xf32>
    %swap3A_135 = arith.constant 3 : index
    %swap3A_136 = arith.constant 0 : index
    %swap3A_137 = arith.constant 0 : index
    %swap3A_138 = vector.load %arg9[%swap3A_135, %swap3A_136, %swap3A_137] : memref<4x16x4000xf32, #tpu.memory_space<vmem>>, vector<1x16x4000xf32>
    %swap3A_139 = vector.shape_cast %swap3A_138 : vector<1x16x4000xf32> to vector<16x4000xf32>
    %swap3A_140 = vector.shape_cast %mul3A_134 : vector<16x4000xf32> to vector<1x16x4000xf32>
    tpu.vector_store %arg9[%swap3A_135, %swap3A_136, %swap3A_137], %swap3A_140 {strides = array<i32>} : memref<4x16x4000xf32, #tpu.memory_space<vmem>>, vector<1x16x4000xf32>,
    %iota3A = tpu.iota {dimensions = array<i32: 1>} : vector<16x4000xi32>
    %iota3A_141 = tpu.iota {dimensions = array<i32: 1>} : vector<16x128xi32>
    %broadcast_in_dim3A = arith.constant 0.000000e+00 : f32
    %broadcast_in_dim3A_142 = vector.broadcast %broadcast_in_dim3A : f32 to vector<16x128xf32>
    %broadcast_in_dim3A_143 = arith.constant 0 : i32
    %broadcast_in_dim3A_144 = vector.broadcast %broadcast_in_dim3A_143 : i32 to vector<16x128xi32>
    %scan3A = arith.constant 0 : i32
    %scan3A_145 = arith.constant 100 : i32
    %scan3A_146 = arith.addi %scan3A, %scan3A_145 : i32
    %scan3A_147 = arith.constant 1 : i32
    %scan3A_148:3 = scf.for %scan3A_183 = %scan3A to %scan3A_146 step %scan3A_147 iter_args(%scan3A_184 = %logistic3A_25, %scan3A_185 = %broadcast_in_dim3A_142, %scan3A_186 = %broadcast_in_dim3A_144) -> (vector<16x4000xf32>, vector<16x128xf32>, vector<16x128xi32>)  : i32 {
      %reduce_max3A = arith.constant dense<0xFF800000> : vector<16xf32>
      %reduce_max3A_187 = vector.multi_reduction <maximumf>, %scan3A_184, %reduce_max3A [1] : vector<16x4000xf32> to vector<16xf32>
      %broadcast_in_dim3A_188 = vector.shape_cast %reduce_max3A_187 : vector<16xf32> to vector<16x1xf32>
      %eq3A = vector.broadcast %broadcast_in_dim3A_188 : vector<16x1xf32> to vector<16x4000xf32>
      %eq3A_189 = arith.cmpf oeq, %scan3A_184, %eq3A : vector<16x4000xf32>
      %jit3A_190 = arith.constant 4000 : i32
      %broadcast_in_dim3A_191 = vector.broadcast %jit3A_190 : i32 to vector<16x4000xi32>
      %select_n3A_192 = arith.select %eq3A_189, %iota3A, %broadcast_in_dim3A_191 : vector<16x4000xi1>, vector<16x4000xi32>
      %reduce_min3A = arith.constant dense<2147483647> : vector<16xi32>
      %reduce_min3A_193 = vector.multi_reduction <minsi>, %select_n3A_192, %reduce_min3A [1] : vector<16x4000xi32> to vector<16xi32>
      %broadcast_in_dim3A_194 = vector.shape_cast %reduce_min3A_193 : vector<16xi32> to vector<16x1xi32>
      %eq3A_195 = vector.broadcast %scan3A_183 : i32 to vector<16x128xi32>
      %eq3A_196 = arith.cmpi eq, %iota3A_141, %eq3A_195 : vector<16x128xi32>
      %broadcast_in_dim3A_197 = vector.shape_cast %broadcast_in_dim3A_188 : vector<16x1xf32> to vector<16x1xf32>
      %broadcast_in_dim3A_198 = vector.broadcast %broadcast_in_dim3A_197 : vector<16x1xf32> to vector<16x128xf32>
      %select_n3A_199 = arith.select %eq3A_196, %broadcast_in_dim3A_198, %scan3A_185 : vector<16x128xi1>, vector<16x128xf32>
      %broadcast_in_dim3A_200 = vector.shape_cast %broadcast_in_dim3A_194 : vector<16x1xi32> to vector<16x1xi32>
      %broadcast_in_dim3A_201 = vector.broadcast %broadcast_in_dim3A_200 : vector<16x1xi32> to vector<16x128xi32>
      %select_n3A_202 = arith.select %eq3A_196, %broadcast_in_dim3A_201, %scan3A_186 : vector<16x128xi1>, vector<16x128xi32>
      %eq3A_203 = vector.broadcast %broadcast_in_dim3A_194 : vector<16x1xi32> to vector<16x4000xi32>
      %eq3A_204 = arith.cmpi eq, %iota3A, %eq3A_203 : vector<16x4000xi32>
      %jit3A_205 = arith.constant -1.000000e+00 : f32
      %broadcast_in_dim3A_206 = vector.broadcast %jit3A_205 : f32 to vector<16x4000xf32>
      %select_n3A_207 = arith.select %eq3A_204, %broadcast_in_dim3A_206, %scan3A_184 : vector<16x4000xi1>, vector<16x4000xf32>
      scf.yield %select_n3A_207, %select_n3A_199, %select_n3A_202 : vector<16x4000xf32>, vector<16x128xf32>, vector<16x128xi32>
    }
    %scan3A_149 = arith.constant 100 : i32
    %slice3A = vector.extract_strided_slice %scan3A_148#1 {offsets = [0, 0], sizes = [16, 100], strides = [1, 1]} : vector<16x128xf32> to vector<16x100xf32>
    %swap3A_150 = arith.constant 0 : index
    %swap3A_151 = arith.constant 0 : index
    %swap3A_152 = vector.load %arg6[%swap3A_150, %swap3A_151] : memref<16x100xf32, #tpu.memory_space<vmem>>, vector<16x100xf32>
    tpu.vector_store %arg6[%swap3A_150, %swap3A_151], %slice3A {strides = array<i32>} : memref<16x100xf32, #tpu.memory_space<vmem>>, vector<16x100xf32>,
    %slice3A_153 = vector.extract_strided_slice %scan3A_148#2 {offsets = [0, 0], sizes = [16, 100], strides = [1, 1]} : vector<16x128xi32> to vector<16x100xi32>
    %jit3A = arith.constant 200 : i32
    %div3A = vector.broadcast %jit3A : i32 to vector<16x100xi32>
    %div3A_154 = arith.divsi %slice3A_153, %div3A : vector<16x100xi32>
    %sign3A = arith.constant 0 : i32
    %sign3A_155 = vector.broadcast %sign3A : i32 to vector<16x100xi32>
    %sign3A_156 = arith.cmpi sgt, %slice3A_153, %sign3A_155 : vector<16x100xi32>
    %sign3A_157 = arith.extui %sign3A_156 : vector<16x100xi1> to vector<16x100xi32>
    %sign3A_158 = arith.constant 0 : i32
    %sign3A_159 = vector.broadcast %sign3A_158 : i32 to vector<16x100xi32>
    %sign3A_160 = arith.cmpi slt, %slice3A_153, %sign3A_159 : vector<16x100xi32>
    %sign3A_161 = arith.extui %sign3A_160 : vector<16x100xi1> to vector<16x100xi32>
    %sign3A_162 = arith.subi %sign3A_157, %sign3A_161 : vector<16x100xi32>
    %sign3A_163 = arith.constant 0 : i32
    %sign3A_164 = arith.cmpi sgt, %jit3A, %sign3A_163 : i32
    %sign3A_165 = arith.extui %sign3A_164 : i1 to i32
    %sign3A_166 = arith.constant 0 : i32
    %sign3A_167 = arith.cmpi slt, %jit3A, %sign3A_166 : i32
    %sign3A_168 = arith.extui %sign3A_167 : i1 to i32
    %sign3A_169 = arith.subi %sign3A_165, %sign3A_168 : i32
    %ne3A = vector.broadcast %sign3A_169 : i32 to vector<16x100xi32>
    %ne3A_170 = arith.cmpi ne, %sign3A_162, %ne3A : vector<16x100xi32>
    %rem3A = vector.broadcast %jit3A : i32 to vector<16x100xi32>
    %rem3A_171 = arith.remsi %slice3A_153, %rem3A : vector<16x100xi32>
    %ne3A_172 = arith.constant 0 : i32
    %ne3A_173 = vector.broadcast %ne3A_172 : i32 to vector<16x100xi32>
    %ne3A_174 = arith.cmpi ne, %rem3A_171, %ne3A_173 : vector<16x100xi32>
    %and3A = arith.andi %ne3A_170, %ne3A_174 : vector<16x100xi1>
    %sub3A = arith.constant 1 : i32
    %sub3A_175 = vector.broadcast %sub3A : i32 to vector<16x100xi32>
    %sub3A_176 = arith.subi %div3A_154, %sub3A_175 : vector<16x100xi32>
    %select_n3A = arith.select %and3A, %sub3A_176, %div3A_154 : vector<16x100xi1>, vector<16x100xi32>
    %swap3A_177 = arith.constant 0 : index
    %swap3A_178 = arith.constant 0 : index
    %swap3A_179 = vector.load %arg7[%swap3A_177, %swap3A_178] : memref<16x100xi32, #tpu.memory_space<vmem>>, vector<16x100xi32>
    tpu.vector_store %arg7[%swap3A_177, %swap3A_178], %select_n3A {strides = array<i32>} : memref<16x100xi32, #tpu.memory_space<vmem>>, vector<16x100xi32>,
    %swap3A_180 = arith.constant 0 : index
    %swap3A_181 = arith.constant 0 : index
    %swap3A_182 = vector.load %arg8[%swap3A_180, %swap3A_181] : memref<16x128xi32, #tpu.memory_space<vmem>>, vector<16x128xi32>
    tpu.vector_store %arg8[%swap3A_180, %swap3A_181], %scan3A_148#2 {strides = array<i32>} : memref<16x128xi32, #tpu.memory_space<vmem>>, vector<16x128xi32>,
    return
  }
}

</mosaic_0001>

<sc_bundles>
// kernel: kernel.6.cloned.1.call-start
scs
__scs_entry_jumppad:
0x0: {  	(pc) =	sbr.rel $0x88, $3  }
0x1: {  	(tag) =	ssettag $0x0;
	lr =	simm.s32 $0x1  }
0x2: {  	[smem:$0x3F9D] =	sst lr;
	_ =	strace $0xD0000000  }
0x3: {  	_ = 	snop  }
0x4: {  	_ = 	snop  }
0x5: {  	_ = 	snop  }
0x6: {  	_ = 	snop  }
0x7: {  	_ = 	snop  }
__scs_overlays_trampoline_lowered:
0x8: {  	[smem:$0x3FAC] =	sst s0  }
0x9: {  	[smem:$0x3FAD] =	sst s1  }
0xa: {  	[smem:$0x3FAE] =	sst s2  }
0xb: {  	[smem:$0x3FAF] =	sst s3  }
0xc: {  	[smem:$0x3FB0] =	sst s4  }
0xd: {  	[smem:$0x3FB1] =	sst s5  }
0xe: {  	[smem:$0x3FB2] =	sst s6  }
0xf: {  	[smem:$0x3FB3] =	sst s7  }
0x10: {  	[smem:$0x3FB4] =	sst s8  }
0x11: {  	[smem:$0x3FB5] =	sst s9;
	s0 =	simm.s32 @!p0 $0x0  }
0x12: {  	s1 =	sld [smem:$0x3F9B];
	s0 =	simm.s32 @p0 $0x1  }
0x13: {  	[smem:$0x3FB6] =	sst s0;
	s0 =	simm.s32 @!p1 $0x0  }
0x14: {  	s2 =	sld [smem:$0x3F9A];
	s0 =	simm.s32 @p1 $0x1  }
0x15: {  	[smem:$0x3FB7] =	sst s0;
	s0 =	simm.s32 @!p2 $0x0  }
0x16: {  	s3 =	sld [smem:$0x3FDB];
	s0 =	simm.s32 @p2 $0x1  }
0x17: {  	s4 =	simm.s32 $0x1BF5;
	[smem:$0x3FB9] =	sst s0  }
0x18: {  	s0 =	sld [smem:$0x3F9C];
	_ =	swait.ge [sflag:s4], $0x0  }
0x19: {  	s7 =	sld [smem:$0x3F9D]  }
0x1a: {  	s8 =	sadd.s32 $0xFFFFE003, lr  }
0x1b: {  	s9 =	sadd.s32 $0xFFFFFEF7, lr;
	s5 =	simm.s32 $0xFFFFFFFF;
	p2 =	slt.u32 s8, $0xFFFFF086  }
0x1c: {  	p1 =	slt.u32 s9, $0xF7A;
	s5 =	simm.s32 @!p2 $0x0  }
0x1d: {  	s5 =	simm.s32 @p1 $0x1;
	p0 =	seq.s32 s7, s2  }
0x1e: {  	s7 =	smul.u32 @!p0 $0xF7A, s2;
	p2 =	seq.s32 @!p0 s5, $0x0  }
0x1f: {  	s9 =	smul.u32 $0xF7A, s1;
	s8 =	simm.s32 @!p0 $0x1BF5;
	p2 =	por !p2, p0  }
0x20: {  	[sflag:s8] =	ssyncset.s32 @!p0 $0xFFFFF086;
	s6 =	sadd.s32 @!p0 s3, s7;
	s7 =	simm.s32 @!p0 $0x108  }
0x21: {  	s3 =	sadd.s32 s3, s9;
	s6 =	sadd.s32 @!p0 $0x88, s6;
	s7 =	simm.s32 @p2 $0x1082  }
0x22: {  	[simem:s7], [sflag:s8] =	dma.local @!p0 [hbm:s6], $0xF7A  }
0x23: {  	s9 =	sor.u32 $0xD0000000, s2;
	s6 =	simm.s32 $0x108;
	_ =	swait.ge @!p0 [sflag:s8], $0x0  }
0x24: {  	s3 =	sadd.s32 $0x88, s3;
	s6 =	simm.s32 @!p1 $0x1082;
	[sflag:s4] =	ssyncset.s32 $0xFFFFF086  }
0x25: {  	[simem:s6], [sflag:s4] =	dma.local [hbm:s3], $0xF7A  }
0x26: {  	[smem:$0x3F9D] =	sst s1;
	(tag) =	ssettag s2;
	_ =	strace s9  }
0x27: {  	s1 =	sld [smem:$0x3FAD]  }
0x28: {  	s2 =	sld [smem:$0x3FAE]  }
0x29: {  	s4 =	sld [smem:$0x3FB0]  }
0x2a: {  	p0 =	seq.s32 s5, $0x0;
	s5 =	sld [smem:$0x3FB1]  }
0x2b: {  	s6 =	sld [smem:$0x3FB2]  }
0x2c: {  	s7 =	sld [smem:$0x3FB3]  }
0x2d: {  	s3 =	simm.s32 $0x108;
	s8 =	sld [smem:$0x3FB4]  }
0x2e: {  	s3 =	simm.s32 @!p0 $0x1082;
	s9 =	sld [smem:$0x3FB5]  }
0x2f: {  	lr =	sadd.s32 s0, s3;
	s0 =	sld [smem:$0x3FAC]  }
0x30: {  	s3 =	sld [smem:$0x3FAF]  }
0x31: {  	[smem:$0x3FB8] =	sst s10  }
0x32: {  	s10 =	sld [smem:$0x3FB6];
	_ =	sdelay $0x3  }
0x33: {  	p0 =	seq.s32 s10, $0x1;
	s10 =	sld [smem:$0x3FB8];
	_ =	sdelay $0x3  }
0x34: {  	[smem:$0x3FB8] =	sst s10  }
0x35: {  	s10 =	sld [smem:$0x3FB7];
	_ =	sdelay $0x3  }
0x36: {  	p1 =	seq.s32 s10, $0x1;
	s10 =	sld [smem:$0x3FB8];
	_ =	sdelay $0x3  }
0x37: {  	[smem:$0x3FB8] =	sst s10  }
0x38: {  	s10 =	sld [smem:$0x3FB9]  }
0x39: {  	_ = 	snop;
	(pc) =	sbr.ind lr, $3  }
0x3a: {  	_ = 	snop  }
0x3b: {  	_ = 	snop  }
0x3c: {  	p2 =	seq.s32 s10, $0x1;
	s10 =	sld [smem:$0x3FB8]  }
0x3d: {  	_ =	shalt  }
0x3e: {  	_ =	shalt  }
0x3f: {  	_ =	shalt  }
0x40: {  	_ =	shalt  }
0x41: {  	_ =	shalt  }
0x42: {  	_ =	shalt  }
0x43: {  	_ =	shalt  }
0x44: {  	_ =	shalt  }
0x45: {  	_ =	shalt  }
0x46: {  	_ =	shalt  }
0x47: {  	_ =	shalt  }
0x48: {  	_ =	shalt  }
0x49: {  	_ =	shalt  }
0x4a: {  	_ =	shalt  }
0x4b: {  	_ =	shalt  }
0x4c: {  	_ =	shalt  }
0x4d: {  	_ =	shalt  }
0x4e: {  	_ =	shalt  }
0x4f: {  	_ =	shalt  }
0x50: {  	_ =	shalt  }
0x51: {  	_ =	shalt  }
0x52: {  	_ =	shalt  }
0x53: {  	_ =	shalt  }
0x54: {  	_ =	shalt  }
0x55: {  	_ =	shalt  }
0x56: {  	_ =	shalt  }
0x57: {  	_ =	shalt  }
0x58: {  	_ =	shalt  }
0x59: {  	_ =	shalt  }
0x5a: {  	_ =	shalt  }
0x5b: {  	_ =	shalt  }
0x5c: {  	_ =	shalt  }
0x5d: {  	_ =	shalt  }
0x5e: {  	_ =	shalt  }
0x5f: {  	_ =	shalt  }
0x60: {  	_ =	shalt  }
0x61: {  	_ =	shalt  }
0x62: {  	_ =	shalt  }
0x63: {  	_ =	shalt  }
0x64: {  	_ =	shalt  }
0x65: {  	_ =	shalt  }
0x66: {  	_ =	shalt  }
0x67: {  	_ =	shalt  }
0x68: {  	_ =	shalt  }
0x69: {  	_ =	shalt  }
0x6a: {  	_ =	shalt  }
0x6b: {  	_ =	shalt  }
0x6c: {  	_ =	shalt  }
0x6d: {  	_ =	shalt  }
0x6e: {  	_ =	shalt  }
0x6f: {  	_ =	shalt  }
0x70: {  	_ =	shalt  }
0x71: {  	_ =	shalt  }
0x72: {  	_ =	shalt  }
0x73: {  	_ =	shalt  }
0x74: {  	_ =	shalt  }
0x75: {  	_ =	shalt  }
0x76: {  	_ =	shalt  }
0x77: {  	_ =	shalt  }
0x78: {  	_ =	shalt  }
0x79: {  	_ =	shalt  }
0x7a: {  	_ =	shalt  }
0x7b: {  	_ =	shalt  }
0x7c: {  	_ =	shalt  }
0x7d: {  	_ =	shalt  }
0x7e: {  	_ =	shalt  }
0x7f: {  	_ =	shalt  }
0x80: {  	_ =	shalt  }
0x81: {  	_ =	shalt  }
0x82: {  	_ =	shalt  }
0x83: {  	_ =	shalt  }
0x84: {  	_ =	shalt  }
0x85: {  	_ =	shalt  }
0x86: {  	_ =	shalt  }
0x87: {  	_ =	shalt  }
.Lfunc_end0:
.L_simem_size_0:
called_computation_lowered:
.L_overlay_start_0:
0x88: {  	s2 =	sld [smem:$0x3FD9]  }
0x89: {  	s3 =	sld [smem:$0x3FFE];
	_ =	sdelay $0x1  }
0x8a: {  	s1 =	srdreg.scid  }
0x8b: {  	s0 =	sand.u32 $0x1, s1  }
0x8c: {  	s17 =	sshll.u32 s0, $0xA;
	s2 =	sadd.s32 s3, s2  }
0x8d: {  	s2 =	sadd.s32 s2, s17  }
0x8e: {  	[smem:$0x3FC4] =	sst s2  }
0x8f: {  	_ = 	snop  }
0x90: {  	s2 =	sld [smem:$0x3FC7];
	(tm) =	ssettm $0x1  }
0x91: {  	s18 =	sld [smem:$0x3FFB];
	_ =	sdelay $0x3  }
0x92: {  	_ =	strace s18  }
0x93: {  	s3 =	sld [smem:$0x3FFC];
	_ =	sdelay $0x3  }
0x94: {  	_ =	strace s3  }
0x95: {  	s3 =	sld [smem:$0x3FFD];
	_ =	sdelay $0x3  }
0x96: {  	_ =	strace s3  }
0x97: {  	_ =	strace $0x8FFFFFFF  }
0x98: {  	s19 =	sld [smem:$0x3FDB];
	_ =	sdelay $0x1  }
0x99: {  	s4 =	simm.s32 $_scs_section_size  }
0x9a: {  	s5 =	simm.s32 $_size__tile_overlayer_lowered;
	s6 =	simm.s32 $_tile_overlayer_lowered  }
0x9b: {  	s22 =	simm.s32 $0x1BFF;
	s21 =	sshll.u32 s6, $0x1;
	s3 =	sadd.s32 s4, s19  }
0x9c: {  	s7 =	simm.s32 $0x0;
	s20 =	sshll.u32 s5, $0x1;
	s5 =	sadd.s32 s21, s3  }
0x9d: {  	[timem:s7], [sflag:s22] =	dma.local [hbm:s5], s20  }
0x9e: {  	_ =	swait.ge [sflag:s22], s20  }
0x9f: {  	s4 =	ssub.s32 $0x0, s20;
	[sflag:s22] =	ssyncset.done $0x0  }
0xa0: {  	[sflag:s22] =	ssyncadd.s32 s4;
	_ =	sdelay $0x1  }
0xa1: {  	s23 =	simm.s32 $0x1B8B  }
0xa2: {  	_ =	swait.ge [sflag:s23], $0x1  }
0xa3: {  	[sflag:s23] =	ssyncset.done $0x0  }
0xa4: {  	s25 =	simm.s32 $0x1B8E;
	s24 =	sld [smem:$0x3FFE];
	[sflag:s23] =	ssyncadd.s32 $0xFFFFFFFF  }
0xa5: {  	s26 =	simm.s32 $execute0_lowered;
	[smem:$0x3FD2] =	sst s25  }
0xa6: {  	s5 =	sshll.u32 s26, $0x1;
	_ =	strace $0x80000046;
	[dreg:$0x1] =	wrdreg $0xFFFFFFFF  }
0xa7: {  	s28 =	simm.s32 $_size_execute0_lowered;
	s3 =	sadd.s32 s3, s5;
	[dreg:$0x0] =	wrdreg $0x0  }
0xa8: {  	s5 =	sshll.u32 s28, $0x1;
	[dreg:$0x2] =	wrdreg s3  }
0xa9: {  	[dreg:$0x3] =	wrdreg s5  }
0xaa: {  	[dreg:$0x4] =	wrdreg $0xC0  }
0xab: {  	_ =	task [dreg:s7], $0x5FFFF  }
0xac: {  	[dreg:$0x1] =	wrdreg $0xFFFFFFFF  }
0xad: {  	[dreg:$0x0] =	wrdreg $0x60  }
0xae: {  	[dreg:$0x2] =	wrdreg s2  }
0xaf: {  	[dreg:$0x3] =	wrdreg s24  }
0xb0: {  	[dreg:$0x4] =	wrdreg $0x9  }
0xb1: {  	_ =	task.clear_ibuf [dreg:s7], $0x5FFFF;
	_ =	strace $0x90000046  }
0xb2: {  	s29 =	simm.s32 $0x9;
	_ =	strace $0x80000048  }
0xb3: {  	_ =	swait.ge [sflag:s29], $0x1  }
0xb4: {  	[sflag:s29] =	ssyncadd.s32 $0xFFFFFFFF  }
0xb5: {  	_ =	strace $0x90000048  }
0xb6: {  	_ =	sfence  }
0xb7: {  	s30 =	sld [smem:$0x0];
	_ =	sdelay $0x2  }
0xb8: {  	s31 =	sshll.u32 s1, $0xD;
	s1 =	sshrl.u32 s1, $0x2  }
0xb9: {  	s3 =	sand.u32 $0x4000, s31;
	s1 =	sadd.s32 s1, s30  }
0xba: {  	s0 =	sor.u32 s3, s0;
	s1 =	sshll.u32 s1, $0x11  }
0xbb: {  	s0 =	sor.u32 s1, s0  }
0xbc: {  	s0 =	sadd.s32 $0x8F2B, s0  }
0xbd: {  	[sflag:s0] =	ssyncadd.remote.s32 $0x1  }
0xbe: {  	_ =	sfence.sel $0xFFFF  }
0xbf: {  	[dreg:$0x0] =	wrdreg $0xFFFFFFFF;
	(pc) =	sbr.abs _section_cstart, $3  }
0xc0: {  	[dreg:$0x1] =	wrdreg $0xFFFFFFFF  }
0xc1: {  	_ =	task.clear_ibuf [dreg:s7], $0x2FFFF;
	_ =	strace $0x9FFFFFFF  }
0xc2: {  	(tm) =	ssettm $0x7FFFFFFF  }
0xc3: {  	_ =	shalt  }
tec
execute0_lowered:
.L_overlay_start_1:
0x0: {  	(tag) =	ssettag $0x1  }
0x1: {  	s1 =	stileid.u32  }
0x2: {  	p0 =	sgt.u32 s1, $0x9  }
.Ltmp0:
0x3: {  	_ = 	snop;
	(pc) =	sbr.rel @p0 .LBB2_5-.Ltmp0, $4  }
0x4: {  	s5 =	rddreg [dreg:$0x0]  }
0x5: {  	s4 =	rddreg [dreg:$0x1];
	s2 =	simm.s32 $0x0  }
0x6: {  	[smem:$0x7FF] =	sst s2  }
0x7: {  	s0 =	rddreg [dreg:$0x2];
	_ =	strace $0x80000047  }
0x8: {  	s3 =	srdreg.scid  }
0x9: {  	s22 =	sshll.u32 s1, $0x1;
	s6 =	sand.u32 $0x1, s3  }
0xa: {  	s8 =	sor.u32 s6, s22  }
0xb: {  	s7 =	sadd.s32 $0xFFFFFFFD, s8  }
0xc: {  	s23 =	smul.u32 $0x56, s7;
	_ =	sdelay $0x1  }
0xd: {  	s9 =	sshrl.u32 s23, $0x1F;
	s3 =	sshrl.u32 s23, $0x8  }
0xe: {  	s11 =	sshll.u32 s1, $0xA;
	s9 =	sadd.s32 s9, s3  }
0xf: {  	s11 =	sand.u32 $0x3000, s11;
	s3 =	smul.u32 $0x3, s9  }
0x10: {  	p1 =	slt.u32 s1, $0x2;
	s11 =	sadd.s32 s11, s4  }
0x11: {  	s12 =	ssub.s32 $0x2, s6;
	s26 =	sshll.u32 s8, $0x4;
	s10 =	ssub.s32 s7, s3  }
0x12: {  	s30 =	sshrl.u32 s12, $0x1;
	s9 =	sshll.u32 s9, $0x18;
	s3 =	sand.u32 $0xFF, s10  }
0x13: {  	s9 =	sadd.s32 $0x1000000, s9;
	s24 =	sshll.u32 s10, $0x18;
	p0 =	sne.s32 s3, $0x0  }
0x14: {  	s10 =	simm.s32 $0x1;
	s3 =	sadd.s32 $0x800, s4;
	p0 =	por !p1, !p0  }
0x15: {  	s4 =	sshra.s32 s24, $0x18;
	p1 =	slt.u32 s8, $0x3;
	p0 =	por !p0, !p0  }
0x16: {  	s9 =	sshra.s32 s9, $0x18;
	s4 =	smov.u32 @p1 s8;
	s10 =	simm.s32 @!p0 $0x0  }
0x17: {  	p0 =	slt.u32 s7, $0xC;
	s25 =	sshrl.u32 s4, $0x2;
	s4 =	sshll.u32 s4, $0x7  }
0x18: {  	s7 =	ssub.s32 s9, s10;
	s9 =	smul.u32 $0x14A00, s25;
	s10 =	sadd.s32 $0xFFFFFFF1, s8  }
0x19: {  	s4 =	sand.u32 $0x180, s4;
	s7 =	simm.s32 @!p0 $0x0;
	p0 =	sgt.u32 s1, $0x7  }
0x1a: {  	s31 =	ssub.s32 s12, s30;
	s7 =	smov.u32 @p0 s10;
	s9 =	sor.u32 s4, s9  }
0x1b: {  	s4 =	simm.s32 $0x1;
	s10 =	sand.u32 $0x70, s26;
	p0 =	sgt.u32 s8, $0xE  }
0x1c: {  	s8 =	simm.s32 $0x80;
	s28 =	sshrl.u32 s9, $0x3;
	s29 =	sadd.s32 s10, s11;
	v0 =	vmov s7  }
0x1d: {  	s7 =	smax.u32 s31, $0x1;
	s9 =	simm.s32 $0x400;
	s10 =	simm.s32 $0x5280;
	v0 =	vadd.s32 $0x3E8, v0  }
0x1e: {  	v1 =	vlaneseq.u32;
	v2 =	vimm.s32 $0x0;
	s11 =	simm.s32 $0x0;
	s5 =	sadd.s32 s5, s28;
	s6 =	sadd.s32 $0x1400, s29;
	v0 =	vbroadcast v0, $0x0  }
.LBB2_2:
0x1f: {  	s12 =	simm.s32 $0x0  }
0x20: {  	v3 =	vor.u32 s12, v1  }
0x21: {  	v4 =	vmulhi.u32 $0x51EB851F, v3;
	_ =	sdelay $0x1  }
0x22: {  	v4 =	vshrl.u32 v4, $0x6  }
0x23: {  	v5 =	vmul.u32 $0xFFFFFF38, v4  }
0x24: {  	s13 =	simm.s32 $0x10  }
0x25: {  	v6 =	vmov s12;
	v3 =	vadd.s32 v3, v5;
	v5 =	vor.u32 s13, v1  }
0x26: {  	vm0 =	veq.s32 v6, v1;
	vm1 =	vne.s32 v3, $0x0;
	v6 =	vmulhi.u32 $0x51EB851F, v5  }
0x27: {  	vm0 =	vmand vm0, vm1  }
0x28: {  	v7 =	vsel vm0, $0xFFFFFFFF, v2;
	v6 =	vshrl.u32 v6, $0x6  }
0x29: {  	s30 =	simm.s32 $0x20;
	v3 =	vmul.u32 $0x5, v3;
	v4 =	vadd.s32 v7, v4;
	v7 =	vmul.u32 $0xFFFFFF38, v6  }
0x2a: {  	s14 =	simm.s32 @p0 $0x0;
	v8 =	vor.u32 s30, v1;
	v9 =	vmov s13;
	v4 =	vmul.u32 $0x3E8, v4  }
0x2b: {  	[tilespmem:s14], [sflag:$0x1] =	stream.linear.gather @p0 [hbm4b:s3+s14], $0x5280, $0x38;
	v3 =	vadd.s32 v3, v0;
	vm0 =	veq.s32 v9, v1;
	v5 =	vadd.s32 v5, v7;
	[tilespmem:$0x6280] =	vst v63  }
0x2c: {  	s15 =	simm.s32 @!p0 $0x0;
	s14 =	simm.s32 @!p0 $0x200;
	s13 =	simm.s32 @!p0 $0x80;
	v7 =	vmulhi.u32 $0x51EB851F, v8;
	vm1 =	vne.s32 v5, $0x0;
	v3 =	vadd.s32 v4, v3  }
0x2d: {  	[tilespmem:s15], [sflag:$0x1] =	stream.strided.gather @!p0 [hbm4b:s5+s13], $0x5280, s14, s13, $0x38;
	vm0 =	vmand vm0, vm1;
	[tilespmem:$0x6280] =	vst v63  }
0x2e: {  	_ =	swait.ge [sflag:s4], $0x5280;
	v4 =	vshrl.u32 v7, $0x6;
	v7 =	vsel vm0, $0xFFFFFFFF, v2  }
0x2f: {  	[sflag:s4] =	ssyncset.done $0x0;
	v5 =	vmul.u32 $0x5, v5;
	v61 =	vmul.u32 $0xFFFFFF38, v4;
	v6 =	vadd.s32 v7, v6  }
0x30: {  	[sflag:s4] =	ssyncadd.s32 $0xFFFFAD80;
	v7 =	vmov s30;
	v6 =	vmul.u32 $0x3E8, v6  }
0x31: {  	s31 =	simm.s32 $0x30;
	v8 =	vadd.s32 v8, v61;
	vm0 =	veq.s32 v7, v1;
	v7 =	vld.idx.msk [tilespmem:v3+s2+$0x0], $0xffff;
	v3 =	vadd.s32 v5, v0  }
0x32: {  	v62 =	vor.u32 s31, v1;
	vm1 =	vne.s32 v8, $0x0;
	v6 =	vadd.s32 v6, v3  }
0x33: {  	v5 =	vmulhi.u32 $0x51EB851F, v62;
	vm0 =	vmand vm0, vm1  }
0x34: {  	v10 =	vsel vm0, $0xFFFFFFFF, v2  }
0x35: {  	v3 =	vshrl.u32 v5, $0x6;
	v5 =	vmul.u32 $0x5, v8;
	v4 =	vadd.s32 v10, v4  }
0x36: {  	v8 =	vmul.u32 $0xFFFFFF38, v3;
	v4 =	vmul.u32 $0x3E8, v4;
	[tilespmem:s10+$0x0] =	vst v7  }
0x37: {  	v5 =	vadd.s32 v5, v0;
	v6 =	vld.idx.msk [tilespmem:v6+s2+$0x0], $0xffff  }
0x38: {  	s12 =	simm.s32 $0x40;
	v63 =	vmov s31;
	v7 =	vadd.s32 v62, v8;
	v5 =	vadd.s32 v4, v5  }
0x39: {  	s14 =	simm.s32 $0x50;
	s13 =	simm.s32 $0x5280;
	vm0 =	veq.s32 v63, v1;
	v4 =	vor.u32 s12, v1;
	vm1 =	vne.s32 v7, $0x0  }
.LBB2_3:
0x3a: {  	p1 =	sne.s32 s14, $0xF90;
	v8 =	vmulhi.u32 $0x51EB851F, v4;
	vm0 =	vmand vm0, vm1  }
0x3b: {  	s13 =	sadd.s32 $0x10, s13;
	v9 =	vsel vm0, $0xFFFFFFFF, v2  }
.Ltmp1:
0x3c: {  	v7 =	vmul.u32 $0x5, v7;
	v9 =	vadd.s32 v9, v3;
	v3 =	vshrl.u32 v8, $0x6;
	[tilespmem:s13+$0x0] =	vst v6;
	(pc) =	sbr.rel @p1 .LBB2_3-.Ltmp1, $4  }
0x3d: {  	v8 =	vmul.u32 $0xFFFFFF38, v3;
	v9 =	vmul.u32 $0x3E8, v9;
	v6 =	vld.idx.msk [tilespmem:v5+s2+$0x0], $0xffff  }
0x3e: {  	v5 =	vadd.s32 v7, v0  }
0x3f: {  	v10 =	vmov s12;
	s12 =	smov.u32 s14;
	v7 =	vadd.s32 v4, v8;
	v5 =	vadd.s32 v9, v5  }
0x40: {  	s14 =	sadd.s32 $0x10, s14;
	vm0 =	veq.s32 v10, v1;
	v4 =	vor.u32 s12, v1;
	vm1 =	vne.s32 v7, $0x0  }
0x41: {  	v8 =	vmulhi.u32 $0x51EB851F, v4  }
0x42: {  	vm0 =	vmand vm0, vm1  }
0x43: {  	v9 =	vsel vm0, $0xFFFFFFFF, v2;
	v8 =	vshrl.u32 v8, $0x6  }
0x44: {  	s13 =	sadd.s32 $0x10, s13;
	v7 =	vmul.u32 $0x5, v7;
	v3 =	vadd.s32 v9, v3;
	v58 =	vmul.u32 $0xFFFFFF38, v8  }
0x45: {  	[tilespmem:s13+$0x0] =	vst v6;
	v3 =	vmul.u32 $0x3E8, v3  }
0x46: {  	v60 =	vmov s12;
	v5 =	vld.idx.msk [tilespmem:v5+s2+$0x0], $0xffff;
	v59 =	vadd.s32 v7, v0;
	v61 =	vadd.s32 v4, v58  }
0x47: {  	vm14 =	veq.s32 v60, v1;
	v3 =	vadd.s32 v3, v59;
	vm15 =	vne.s32 v61, $0x0  }
0x48: {  	vm0 =	vmand vm14, vm15  }
0x49: {  	v62 =	vsel vm0, $0xFFFFFFFF, v2  }
0x4a: {  	s31 =	sadd.s32 $0x10, s13;
	v4 =	vmul.u32 $0x5, v61;
	v6 =	vadd.s32 v62, v8  }
0x4b: {  	[tilespmem:s31+$0x0] =	vst v5;
	v63 =	vmul.u32 $0x3E8, v6  }
0x4c: {  	v4 =	vadd.s32 v4, v0;
	v3 =	vld.idx.msk [tilespmem:v3+s2+$0x0], $0xffff  }
0x4d: {  	v4 =	vadd.s32 v63, v4;
	_ =	sdelay $0x2  }
0x4e: {  	s12 =	sadd.s32 $0x10, s31  }
0x4f: {  	[tilespmem:s12+$0x0] =	vst v3  }
0x50: {  	v3 =	vld.idx.msk [tilespmem:v4+s2+$0x0], $0xffff;
	_ =	sdelay $0x2  }
0x51: {  	s11 =	sadd.s32 $0x1, s11  }
0x52: {  	p1 =	sne.s32 s11, s7;
	s12 =	sadd.s32 $0x10, s12  }
.Ltmp2:
0x53: {  	[tilespmem:s12+$0x0] =	vst v3;
	(pc) =	sbr.rel @p1 .LBB2_2-.Ltmp2, $4  }
0x54: {  	[hbm4b:s6+s8] =	stream.strided.scatter [tilespmem:s10], [sflag:$0x1], $0x1000, s9, s8, $0x38;
	[tilespmem:$0x6280] =	vst v63  }
0x55: {  	_ =	swait.ge [sflag:s4], $0x1000  }
0x56: {  	[sflag:s4] =	ssyncset.done $0x0  }
0x57: {  	[sflag:s4] =	ssyncadd.s32 $0xFFFFF000  }
.LBB2_5:
0x58: {  	_ =	sfence.sel $0x180000  }
0x59: {  	[bflag:$0x0] =	sbarrier.arrive $0xFFFF  }
0x5a: {  	p0 =	sne.s32 s1, $0x0;
	_ =	strace $0x90000047  }
0x5b: {  	s0 =	sadd.s32 @!p0 $0x100000, s0;
	[bflag:$0x2] =	sbarrier.arrive $0xFFFF  }
0x5c: {  	[sflag:s0] =	ssyncadd.tile.s32 @!p0 $0x1;
	_ =	shalt  }
.Lfunc_end2:
_tile_overlayer_lowered:
.L_overlay_start_2:
0x5d: {  	(tag) =	ssettag $0x2  }
0x5e: {  	s0 =	rddreg [dreg:$0x0];
	s2 =	stileid.u32  }
0x5f: {  	s1 =	rddreg [dreg:$0x1];
	p0 =	sne.s32 s2, $0x0  }
0x60: {  	s3 =	rddreg [dreg:$0x2];
	[bflag:$0x3] =	sbarrier.arrive $0xFFFF;
	s2 =	simm.s32 @!p0 $0x1C01  }
0x61: {  	[timem:s3], [sflag:s2] =	dma.local @!p0 [hbm:s0], s1  }
0x62: {  	s0 =	simm.s32 @!p0 $0x1  }
0x63: {  	_ =	swait.ge @!p0 [sflag:s0], s1  }
0x64: {  	s1 =	ssub.s32 @!p0 $0x0, s1;
	[sflag:s0] =	ssyncset.done @!p0 $0x0  }
0x65: {  	[sflag:s0] =	ssyncadd.s32 @!p0 s1  }
0x66: {  	[bflag:$0x3] =	sbarrier.arrive $0xFFFF  }
0x67: {  	_ =	shalt  }

// kernel: kernel.9.cloned.1.call-start
scs
__scs_entry_jumppad:
0x0: {  	(pc) =	sbr.rel $0x88, $3  }
0x1: {  	(tag) =	ssettag $0x0;
	lr =	simm.s32 $0x1  }
0x2: {  	[smem:$0x3F9D] =	sst lr;
	_ =	strace $0xD0000000  }
0x3: {  	_ = 	snop  }
0x4: {  	_ = 	snop  }
0x5: {  	_ = 	snop  }
0x6: {  	_ = 	snop  }
0x7: {  	_ = 	snop  }
__scs_overlays_trampoline_lowered:
0x8: {  	[smem:$0x3FAC] =	sst s0  }
0x9: {  	[smem:$0x3FAD] =	sst s1  }
0xa: {  	[smem:$0x3FAE] =	sst s2  }
0xb: {  	[smem:$0x3FAF] =	sst s3  }
0xc: {  	[smem:$0x3FB0] =	sst s4  }
0xd: {  	[smem:$0x3FB1] =	sst s5  }
0xe: {  	[smem:$0x3FB2] =	sst s6  }
0xf: {  	[smem:$0x3FB3] =	sst s7  }
0x10: {  	[smem:$0x3FB4] =	sst s8  }
0x11: {  	[smem:$0x3FB5] =	sst s9;
	s0 =	simm.s32 @!p0 $0x0  }
0x12: {  	s1 =	sld [smem:$0x3F9B];
	s0 =	simm.s32 @p0 $0x1  }
0x13: {  	[smem:$0x3FB6] =	sst s0;
	s0 =	simm.s32 @!p1 $0x0  }
0x14: {  	s2 =	sld [smem:$0x3F9A];
	s0 =	simm.s32 @p1 $0x1  }
0x15: {  	[smem:$0x3FB7] =	sst s0;
	s0 =	simm.s32 @!p2 $0x0  }
0x16: {  	s3 =	sld [smem:$0x3FDB];
	s0 =	simm.s32 @p2 $0x1  }
0x17: {  	s4 =	simm.s32 $0x1BF5;
	[smem:$0x3FB9] =	sst s0  }
0x18: {  	s0 =	sld [smem:$0x3F9C];
	_ =	swait.ge [sflag:s4], $0x0  }
0x19: {  	s7 =	sld [smem:$0x3F9D]  }
0x1a: {  	s8 =	sadd.s32 $0xFFFFE003, lr  }
0x1b: {  	s9 =	sadd.s32 $0xFFFFFEF7, lr;
	s5 =	simm.s32 $0xFFFFFFFF;
	p2 =	slt.u32 s8, $0xFFFFF086  }
0x1c: {  	p1 =	slt.u32 s9, $0xF7A;
	s5 =	simm.s32 @!p2 $0x0  }
0x1d: {  	s5 =	simm.s32 @p1 $0x1;
	p0 =	seq.s32 s7, s2  }
0x1e: {  	s7 =	smul.u32 @!p0 $0xF7A, s2;
	p2 =	seq.s32 @!p0 s5, $0x0  }
0x1f: {  	s9 =	smul.u32 $0xF7A, s1;
	s8 =	simm.s32 @!p0 $0x1BF5;
	p2 =	por !p2, p0  }
0x20: {  	[sflag:s8] =	ssyncset.s32 @!p0 $0xFFFFF086;
	s6 =	sadd.s32 @!p0 s3, s7;
	s7 =	simm.s32 @!p0 $0x108  }
0x21: {  	s3 =	sadd.s32 s3, s9;
	s6 =	sadd.s32 @!p0 $0x88, s6;
	s7 =	simm.s32 @p2 $0x1082  }
0x22: {  	[simem:s7], [sflag:s8] =	dma.local @!p0 [hbm:s6], $0xF7A  }
0x23: {  	s9 =	sor.u32 $0xD0000000, s2;
	s6 =	simm.s32 $0x108;
	_ =	swait.ge @!p0 [sflag:s8], $0x0  }
0x24: {  	s3 =	sadd.s32 $0x88, s3;
	s6 =	simm.s32 @!p1 $0x1082;
	[sflag:s4] =	ssyncset.s32 $0xFFFFF086  }
0x25: {  	[simem:s6], [sflag:s4] =	dma.local [hbm:s3], $0xF7A  }
0x26: {  	[smem:$0x3F9D] =	sst s1;
	(tag) =	ssettag s2;
	_ =	strace s9  }
0x27: {  	s1 =	sld [smem:$0x3FAD]  }
0x28: {  	s2 =	sld [smem:$0x3FAE]  }
0x29: {  	s4 =	sld [smem:$0x3FB0]  }
0x2a: {  	p0 =	seq.s32 s5, $0x0;
	s5 =	sld [smem:$0x3FB1]  }
0x2b: {  	s6 =	sld [smem:$0x3FB2]  }
0x2c: {  	s7 =	sld [smem:$0x3FB3]  }
0x2d: {  	s3 =	simm.s32 $0x108;
	s8 =	sld [smem:$0x3FB4]  }
0x2e: {  	s3 =	simm.s32 @!p0 $0x1082;
	s9 =	sld [smem:$0x3FB5]  }
0x2f: {  	lr =	sadd.s32 s0, s3;
	s0 =	sld [smem:$0x3FAC]  }
0x30: {  	s3 =	sld [smem:$0x3FAF]  }
0x31: {  	[smem:$0x3FB8] =	sst s10  }
0x32: {  	s10 =	sld [smem:$0x3FB6];
	_ =	sdelay $0x3  }
0x33: {  	p0 =	seq.s32 s10, $0x1;
	s10 =	sld [smem:$0x3FB8];
	_ =	sdelay $0x3  }
0x34: {  	[smem:$0x3FB8] =	sst s10  }
0x35: {  	s10 =	sld [smem:$0x3FB7];
	_ =	sdelay $0x3  }
0x36: {  	p1 =	seq.s32 s10, $0x1;
	s10 =	sld [smem:$0x3FB8];
	_ =	sdelay $0x3  }
0x37: {  	[smem:$0x3FB8] =	sst s10  }
0x38: {  	s10 =	sld [smem:$0x3FB9]  }
0x39: {  	_ = 	snop;
	(pc) =	sbr.ind lr, $3  }
0x3a: {  	_ = 	snop  }
0x3b: {  	_ = 	snop  }
0x3c: {  	p2 =	seq.s32 s10, $0x1;
	s10 =	sld [smem:$0x3FB8]  }
0x3d: {  	_ =	shalt  }
0x3e: {  	_ =	shalt  }
0x3f: {  	_ =	shalt  }
0x40: {  	_ =	shalt  }
0x41: {  	_ =	shalt  }
0x42: {  	_ =	shalt  }
0x43: {  	_ =	shalt  }
0x44: {  	_ =	shalt  }
0x45: {  	_ =	shalt  }
0x46: {  	_ =	shalt  }
0x47: {  	_ =	shalt  }
0x48: {  	_ =	shalt  }
0x49: {  	_ =	shalt  }
0x4a: {  	_ =	shalt  }
0x4b: {  	_ =	shalt  }
0x4c: {  	_ =	shalt  }
0x4d: {  	_ =	shalt  }
0x4e: {  	_ =	shalt  }
0x4f: {  	_ =	shalt  }
0x50: {  	_ =	shalt  }
0x51: {  	_ =	shalt  }
0x52: {  	_ =	shalt  }
0x53: {  	_ =	shalt  }
0x54: {  	_ =	shalt  }
0x55: {  	_ =	shalt  }
0x56: {  	_ =	shalt  }
0x57: {  	_ =	shalt  }
0x58: {  	_ =	shalt  }
0x59: {  	_ =	shalt  }
0x5a: {  	_ =	shalt  }
0x5b: {  	_ =	shalt  }
0x5c: {  	_ =	shalt  }
0x5d: {  	_ =	shalt  }
0x5e: {  	_ =	shalt  }
0x5f: {  	_ =	shalt  }
0x60: {  	_ =	shalt  }
0x61: {  	_ =	shalt  }
0x62: {  	_ =	shalt  }
0x63: {  	_ =	shalt  }
0x64: {  	_ =	shalt  }
0x65: {  	_ =	shalt  }
0x66: {  	_ =	shalt  }
0x67: {  	_ =	shalt  }
0x68: {  	_ =	shalt  }
0x69: {  	_ =	shalt  }
0x6a: {  	_ =	shalt  }
0x6b: {  	_ =	shalt  }
0x6c: {  	_ =	shalt  }
0x6d: {  	_ =	shalt  }
0x6e: {  	_ =	shalt  }
0x6f: {  	_ =	shalt  }
0x70: {  	_ =	shalt  }
0x71: {  	_ =	shalt  }
0x72: {  	_ =	shalt  }
0x73: {  	_ =	shalt  }
0x74: {  	_ =	shalt  }
0x75: {  	_ =	shalt  }
0x76: {  	_ =	shalt  }
0x77: {  	_ =	shalt  }
0x78: {  	_ =	shalt  }
0x79: {  	_ =	shalt  }
0x7a: {  	_ =	shalt  }
0x7b: {  	_ =	shalt  }
0x7c: {  	_ =	shalt  }
0x7d: {  	_ =	shalt  }
0x7e: {  	_ =	shalt  }
0x7f: {  	_ =	shalt  }
0x80: {  	_ =	shalt  }
0x81: {  	_ =	shalt  }
0x82: {  	_ =	shalt  }
0x83: {  	_ =	shalt  }
0x84: {  	_ =	shalt  }
0x85: {  	_ =	shalt  }
0x86: {  	_ =	shalt  }
0x87: {  	_ =	shalt  }
.Lfunc_end0:
.L_simem_size_0:
called_computation.1_lowered:
.L_overlay_start_0:
0x88: {  	s2 =	sld [smem:$0x3FD9]  }
0x89: {  	s3 =	sld [smem:$0x3FFE];
	_ =	sdelay $0x1  }
0x8a: {  	s1 =	srdreg.scid  }
0x8b: {  	s0 =	sand.u32 $0x1, s1  }
0x8c: {  	s14 =	sshll.u32 s0, $0xA;
	s2 =	sadd.s32 s3, s2  }
0x8d: {  	s2 =	sadd.s32 s2, s14  }
0x8e: {  	[smem:$0x3FC4] =	sst s2  }
0x8f: {  	_ = 	snop  }
0x90: {  	s2 =	sld [smem:$0x3FD0];
	_ =	sdelay $0x2  }
0x91: {  	s15 =	simm.s32 $0xA;
	s4 =	simm.s32 $0x10  }
0x92: {  	[smem:s4], [sflag:s15] =	dma.local [hbm:s2], $0x1  }
0x93: {  	_ =	swait.eq [sflag:s15], $0x1  }
0x94: {  	[sflag:s15] =	ssyncset.done $0x0  }
0x95: {  	[sflag:s15] =	ssyncadd.s32 $0xFFFFFFFF  }
0x96: {  	s16 =	sld [smem:$0x10];
	(tm) =	ssettm $0x1  }
0x97: {  	s17 =	sld [smem:$0x3FFB];
	_ =	sdelay $0x3  }
0x98: {  	_ =	strace s17  }
0x99: {  	s3 =	sld [smem:$0x3FFC];
	_ =	sdelay $0x3  }
0x9a: {  	_ =	strace s3  }
0x9b: {  	s3 =	sld [smem:$0x3FFD];
	_ =	sdelay $0x3  }
0x9c: {  	_ =	strace s3  }
0x9d: {  	_ =	strace $0x8FFFFFFF  }
0x9e: {  	s18 =	sld [smem:$0x3FDB];
	_ =	sdelay $0x1  }
0x9f: {  	s19 =	simm.s32 $_scs_section_size  }
0xa0: {  	s5 =	simm.s32 $_size__tile_overlayer_lowered;
	s6 =	simm.s32 $_tile_overlayer_lowered  }
0xa1: {  	s22 =	simm.s32 $0x1BFF;
	s21 =	sshll.u32 s6, $0x1;
	s3 =	sadd.s32 s19, s18  }
0xa2: {  	s7 =	simm.s32 $0x0;
	s20 =	sshll.u32 s5, $0x1;
	s5 =	sadd.s32 s21, s3  }
0xa3: {  	[timem:s7], [sflag:s22] =	dma.local [hbm:s5], s20  }
0xa4: {  	_ =	swait.ge [sflag:s22], s20  }
0xa5: {  	s4 =	ssub.s32 $0x0, s20;
	[sflag:s22] =	ssyncset.done $0x0  }
0xa6: {  	[sflag:s22] =	ssyncadd.s32 s4;
	_ =	sdelay $0x1  }
0xa7: {  	s23 =	simm.s32 $0x1B8B  }
0xa8: {  	_ =	swait.ge [sflag:s23], $0x1  }
0xa9: {  	[sflag:s23] =	ssyncset.done $0x0  }
0xaa: {  	s25 =	simm.s32 $0x1B8E;
	s24 =	sld [smem:$0x3FFE];
	[sflag:s23] =	ssyncadd.s32 $0xFFFFFFFF  }
0xab: {  	s26 =	simm.s32 $execute0_lowered;
	[smem:$0x3FD2] =	sst s25  }
0xac: {  	s5 =	sshll.u32 s26, $0x1;
	_ =	strace $0x80000049;
	[dreg:$0x1] =	wrdreg $0xFFFFFFFF  }
0xad: {  	s28 =	simm.s32 $_size_execute0_lowered;
	s3 =	sadd.s32 s3, s5;
	[dreg:$0x0] =	wrdreg $0x0  }
0xae: {  	s5 =	sshll.u32 s28, $0x1;
	[dreg:$0x2] =	wrdreg s3  }
0xaf: {  	[dreg:$0x3] =	wrdreg s5  }
0xb0: {  	[dreg:$0x4] =	wrdreg $0xC0  }
0xb1: {  	_ =	task [dreg:s7], $0x5FFFF  }
0xb2: {  	[dreg:$0x1] =	wrdreg $0xFFFFFFFF  }
0xb3: {  	[dreg:$0x0] =	wrdreg $0x60  }
0xb4: {  	[dreg:$0x2] =	wrdreg s24  }
0xb5: {  	[dreg:$0x3] =	wrdreg s16  }
0xb6: {  	[dreg:$0x4] =	wrdreg $0x9  }
0xb7: {  	_ =	task.clear_ibuf [dreg:s7], $0x5FFFF;
	_ =	strace $0x90000049  }
0xb8: {  	s29 =	simm.s32 $0x9;
	_ =	strace $0x8000004B  }
0xb9: {  	_ =	swait.ge [sflag:s29], $0x1  }
0xba: {  	[sflag:s29] =	ssyncadd.s32 $0xFFFFFFFF  }
0xbb: {  	_ =	strace $0x9000004B  }
0xbc: {  	_ =	sfence  }
0xbd: {  	s30 =	sld [smem:$0x0];
	_ =	sdelay $0x2  }
0xbe: {  	s31 =	sshll.u32 s1, $0xD;
	s1 =	sshrl.u32 s1, $0x2  }
0xbf: {  	s3 =	sand.u32 $0x4000, s31;
	s1 =	sadd.s32 s1, s30  }
0xc0: {  	s0 =	sor.u32 s3, s0;
	s1 =	sshll.u32 s1, $0x11  }
0xc1: {  	s0 =	sor.u32 s1, s0  }
0xc2: {  	s0 =	sadd.s32 $0x8F2B, s0  }
0xc3: {  	[sflag:s0] =	ssyncadd.remote.s32 $0x1  }
0xc4: {  	_ =	sfence.sel $0xFFFF  }
0xc5: {  	[dreg:$0x0] =	wrdreg $0xFFFFFFFF;
	(pc) =	sbr.abs _section_cstart, $3  }
0xc6: {  	[dreg:$0x1] =	wrdreg $0xFFFFFFFF  }
0xc7: {  	_ =	task.clear_ibuf [dreg:s7], $0x2FFFF;
	_ =	strace $0x9FFFFFFF  }
0xc8: {  	(tm) =	ssettm $0x7FFFFFFF  }
0xc9: {  	_ =	shalt  }
tec
execute0_lowered:
.L_overlay_start_1:
0x0: {  	(tag) =	ssettag $0x1  }
0x1: {  	s1 =	stileid.u32  }
0x2: {  	p0 =	sgt.u32 s1, $0x7  }
.Ltmp0:
0x3: {  	_ = 	snop;
	(pc) =	sbr.rel @p0 .LBB2_4-.Ltmp0, $4  }
0x4: {  	s15 =	rddreg [dreg:$0x0]  }
0x5: {  	s13 =	rddreg [dreg:$0x1];
	s2 =	simm.s32 $0x0  }
0x6: {  	[smem:$0x7FF] =	sst s2  }
0x7: {  	s0 =	rddreg [dreg:$0x2];
	_ =	strace $0x8000004A  }
0x8: {  	s3 =	srdreg.scid  }
0x9: {  	s28 =	sshll.u32 s1, $0x1;
	s16 =	sand.u32 $0x1, s3  }
0xa: {  	s17 =	sor.u32 s16, s28  }
0xb: {  	s12 =	sshrl.u32 s1, $0x2;
	s3 =	sshll.u32 s17, $0x7  }
0xc: {  	s4 =	sshll.u32 s12, $0xF;
	s14 =	sand.u32 $0x380, s3  }
0xd: {  	s3 =	sor.u32 s4, s14  }
0xe: {  	s7 =	sadd.s32 $0x800, s15;
	s6 =	simm.s32 $0x400;
	s8 =	sshrl.u32 s3, $0x3  }
0xf: {  	s5 =	simm.s32 $0x1;
	s4 =	simm.s32 $0x80;
	s3 =	sadd.s32 s7, s8  }
0x10: {  	[tilespmem:s2], [sflag:$0x1] =	stream.strided.gather [hbm4b:s3+s4], $0x1000, s6, s4, $0x38;
	[tilespmem:$0x4280] =	vst v63  }
0x11: {  	_ =	swait.ge [sflag:s5], $0x1000  }
0x12: {  	s11 =	sadd.s32 s8, s7;
	[sflag:s5] =	ssyncset.done $0x0  }
0x13: {  	s8 =	simm.s32 $0x1000;
	s7 =	sadd.s32 $0x2000, s11;
	[sflag:s5] =	ssyncadd.s32 $0xFFFFF000  }
0x14: {  	[tilespmem:s8], [sflag:$0x1] =	stream.strided.gather [hbm4b:s7+s4], $0x1000, s6, s4, $0x38;
	[tilespmem:$0x4280] =	vst v63  }
0x15: {  	_ =	swait.ge [sflag:s5], $0x1000  }
0x16: {  	[sflag:s5] =	ssyncset.done $0x0  }
0x17: {  	s10 =	simm.s32 $0x2000;
	s9 =	sadd.s32 $0x4000, s11;
	[sflag:s5] =	ssyncadd.s32 $0xFFFFF000  }
0x18: {  	[tilespmem:s10], [sflag:$0x1] =	stream.strided.gather [hbm4b:s9+s4], $0x1000, s6, s4, $0x38;
	[tilespmem:$0x4280] =	vst v63  }
0x19: {  	_ =	swait.ge [sflag:s5], $0x1000  }
0x1a: {  	s18 =	sshll.u32 s12, $0xA;
	[sflag:s5] =	ssyncset.done $0x0  }
0x1b: {  	s12 =	simm.s32 $0x3000;
	s11 =	sadd.s32 $0x6000, s11;
	[sflag:s5] =	ssyncadd.s32 $0xFFFFF000  }
0x1c: {  	[tilespmem:s12], [sflag:$0x1] =	stream.strided.gather [hbm4b:s11+s4], $0x1000, s6, s4, $0x38;
	[tilespmem:$0x4280] =	vst v63  }
0x1d: {  	s14 =	sor.u32 s18, s14;
	_ =	swait.ge [sflag:s5], $0x1000  }
0x1e: {  	s14 =	sshrl.u32 s14, $0x3;
	[sflag:s5] =	ssyncset.done $0x0  }
0x1f: {  	s13 =	sadd.s32 s13, s14;
	s14 =	simm.s32 $0x4000;
	[sflag:s5] =	ssyncadd.s32 $0xFFFFF000  }
0x20: {  	[tilespmem:s14], [sflag:$0x1] =	stream.linear.gather [hbm4b:s13+s2], $0x80, $0x38;
	[tilespmem:$0x4280] =	vst v63  }
0x21: {  	_ =	swait.ge [sflag:s5], $0x80  }
0x22: {  	[sflag:s5] =	ssyncset.done $0x0  }
0x23: {  	[sflag:s5] =	ssyncadd.s32 $0xFFFFFF80  }
0x24: {  	v0 =	vld [tilespmem:$0x4000];
	_ =	sdelay $0x5  }
0x25: {  	v1 =	vld [tilespmem:$0x4010];
	_ =	sdelay $0x1  }
0x26: {  	v0 =	vld.idx.msk [tilespmem:v0+s2+$0x0], $0xffff;
	_ =	sdelay $0x3  }
0x27: {  	v2 =	vld [tilespmem:$0x4020]  }
0x28: {  	[tilespmem:$0x4080] =	vst v0  }
0x29: {  	v0 =	vld.idx.msk [tilespmem:v1+s2+$0x0], $0xffff;
	_ =	sdelay $0x3  }
0x2a: {  	v39 =	vld [tilespmem:$0x4030]  }
0x2b: {  	[tilespmem:$0x4090] =	vst v0  }
0x2c: {  	v0 =	vld.idx.msk [tilespmem:v2+s2+$0x0], $0xffff;
	_ =	sdelay $0x3  }
0x2d: {  	v40 =	vld [tilespmem:$0x4040]  }
0x2e: {  	[tilespmem:$0x40A0] =	vst v0  }
0x2f: {  	v0 =	vld.idx.msk [tilespmem:v39+s2+$0x0], $0xffff;
	_ =	sdelay $0x3  }
0x30: {  	v41 =	vld [tilespmem:$0x4050]  }
0x31: {  	[tilespmem:$0x40B0] =	vst v0  }
0x32: {  	v0 =	vld.idx.msk [tilespmem:v40+s2+$0x0], $0xffff;
	_ =	sdelay $0x3  }
0x33: {  	v42 =	vld [tilespmem:$0x4060]  }
0x34: {  	[tilespmem:$0x40C0] =	vst v0  }
0x35: {  	v0 =	vld.idx.msk [tilespmem:v41+s2+$0x0], $0xffff;
	_ =	sdelay $0x3  }
0x36: {  	v43 =	vld [tilespmem:$0x4000]  }
0x37: {  	[tilespmem:$0x40D0] =	vst v0  }
0x38: {  	v0 =	vld.idx.msk [tilespmem:v42+s2+$0x0], $0xffff;
	_ =	sdelay $0x3  }
0x39: {  	v44 =	vld [tilespmem:$0x4010]  }
0x3a: {  	[tilespmem:$0x40E0] =	vst v0  }
0x3b: {  	v0 =	vld.idx.msk [tilespmem:v43+s8+$0x0], $0xffff;
	_ =	sdelay $0x3  }
0x3c: {  	v45 =	vld [tilespmem:$0x4020]  }
0x3d: {  	[tilespmem:$0x4100] =	vst v0  }
0x3e: {  	v0 =	vld.idx.msk [tilespmem:v44+s8+$0x0], $0xffff;
	_ =	sdelay $0x3  }
0x3f: {  	v46 =	vld [tilespmem:$0x4030]  }
0x40: {  	[tilespmem:$0x4110] =	vst v0  }
0x41: {  	v0 =	vld.idx.msk [tilespmem:v45+s8+$0x0], $0xffff;
	_ =	sdelay $0x3  }
0x42: {  	v47 =	vld [tilespmem:$0x4040]  }
0x43: {  	[tilespmem:$0x4120] =	vst v0  }
0x44: {  	v0 =	vld.idx.msk [tilespmem:v46+s8+$0x0], $0xffff;
	_ =	sdelay $0x3  }
0x45: {  	v48 =	vld [tilespmem:$0x4050]  }
0x46: {  	[tilespmem:$0x4130] =	vst v0  }
0x47: {  	v0 =	vld.idx.msk [tilespmem:v47+s8+$0x0], $0xffff;
	_ =	sdelay $0x3  }
0x48: {  	v49 =	vld [tilespmem:$0x4060]  }
0x49: {  	[tilespmem:$0x4140] =	vst v0  }
0x4a: {  	v0 =	vld.idx.msk [tilespmem:v48+s8+$0x0], $0xffff;
	_ =	sdelay $0x3  }
0x4b: {  	v50 =	vld [tilespmem:$0x4000]  }
0x4c: {  	[tilespmem:$0x4150] =	vst v0  }
0x4d: {  	v0 =	vld.idx.msk [tilespmem:v49+s8+$0x0], $0xffff;
	_ =	sdelay $0x3  }
0x4e: {  	v51 =	vld [tilespmem:$0x4010]  }
0x4f: {  	[tilespmem:$0x4160] =	vst v0  }
0x50: {  	v0 =	vld.idx.msk [tilespmem:v50+s10+$0x0], $0xffff;
	_ =	sdelay $0x3  }
0x51: {  	v52 =	vld [tilespmem:$0x4020]  }
0x52: {  	[tilespmem:$0x4180] =	vst v0  }
0x53: {  	v0 =	vld.idx.msk [tilespmem:v51+s10+$0x0], $0xffff;
	_ =	sdelay $0x3  }
0x54: {  	v53 =	vld [tilespmem:$0x4030]  }
0x55: {  	[tilespmem:$0x4190] =	vst v0  }
0x56: {  	v0 =	vld.idx.msk [tilespmem:v52+s10+$0x0], $0xffff;
	_ =	sdelay $0x3  }
0x57: {  	v54 =	vld [tilespmem:$0x4040]  }
0x58: {  	[tilespmem:$0x41A0] =	vst v0  }
0x59: {  	v0 =	vld.idx.msk [tilespmem:v53+s10+$0x0], $0xffff;
	_ =	sdelay $0x3  }
0x5a: {  	v55 =	vld [tilespmem:$0x4050]  }
0x5b: {  	[tilespmem:$0x41B0] =	vst v0  }
0x5c: {  	v0 =	vld.idx.msk [tilespmem:v54+s10+$0x0], $0xffff;
	_ =	sdelay $0x3  }
0x5d: {  	v56 =	vld [tilespmem:$0x4060]  }
0x5e: {  	[tilespmem:$0x41C0] =	vst v0  }
0x5f: {  	v0 =	vld.idx.msk [tilespmem:v55+s10+$0x0], $0xffff;
	_ =	sdelay $0x3  }
0x60: {  	v57 =	vld [tilespmem:$0x4000]  }
0x61: {  	[tilespmem:$0x41D0] =	vst v0  }
0x62: {  	v0 =	vld.idx.msk [tilespmem:v56+s10+$0x0], $0xffff;
	_ =	sdelay $0x3  }
0x63: {  	v58 =	vld [tilespmem:$0x4010]  }
0x64: {  	[tilespmem:$0x41E0] =	vst v0  }
0x65: {  	v0 =	vld.idx.msk [tilespmem:v57+s12+$0x0], $0xffff;
	_ =	sdelay $0x3  }
0x66: {  	v59 =	vld [tilespmem:$0x4020]  }
0x67: {  	[tilespmem:$0x4200] =	vst v0  }
0x68: {  	v0 =	vld.idx.msk [tilespmem:v58+s12+$0x0], $0xffff;
	_ =	sdelay $0x3  }
0x69: {  	v60 =	vld [tilespmem:$0x4030]  }
0x6a: {  	[tilespmem:$0x4210] =	vst v0  }
0x6b: {  	v0 =	vld.idx.msk [tilespmem:v59+s12+$0x0], $0xffff;
	_ =	sdelay $0x3  }
0x6c: {  	v61 =	vld [tilespmem:$0x4040]  }
0x6d: {  	[tilespmem:$0x4220] =	vst v0  }
0x6e: {  	v0 =	vld.idx.msk [tilespmem:v60+s12+$0x0], $0xffff;
	_ =	sdelay $0x3  }
0x6f: {  	v62 =	vld [tilespmem:$0x4050]  }
0x70: {  	[tilespmem:$0x4230] =	vst v0  }
0x71: {  	v0 =	vld.idx.msk [tilespmem:v61+s12+$0x0], $0xffff;
	_ =	sdelay $0x3  }
0x72: {  	v63 =	vld [tilespmem:$0x4060]  }
0x73: {  	[tilespmem:$0x4240] =	vst v0  }
0x74: {  	v0 =	vld.idx.msk [tilespmem:v62+s12+$0x0], $0xffff;
	_ =	sdelay $0x4  }
0x75: {  	s16 =	ssub.s32 $0x2, s16;
	[tilespmem:$0x4250] =	vst v0  }
0x76: {  	s29 =	sshrl.u32 s16, $0x1;
	v0 =	vld.idx.msk [tilespmem:v63+s12+$0x0], $0xffff  }
0x77: {  	s16 =	ssub.s32 s16, s29  }
0x78: {  	s31 =	smax.u32 s16, $0x1  }
0x79: {  	s17 =	sshll.u32 s17, $0x6;
	p0 =	sne.s32 s31, $0x1  }
.Ltmp1:
0x7a: {  	s30 =	sadd.s32 s17, s15;
	(pc) =	sbr.rel @!p0 .LBB2_3-.Ltmp1, $4  }
0x7b: {  	s15 =	sadd.s32 $0x8800, s30;
	s16 =	simm.s32 $0x4080;
	[tilespmem:$0x4260] =	vst v0  }
0x7c: {  	[hbm4b:s15+s2] =	stream.linear.scatter [tilespmem:s16], [sflag:$0x1], $0x200, $0x38;
	[tilespmem:$0x4280] =	vst v63  }
0x7d: {  	_ =	swait.ge [sflag:s5], $0x200  }
0x7e: {  	s17 =	sadd.s32 $0xFFFFFFFF, s31;
	[sflag:s5] =	ssyncset.done $0x0  }
.LBB2_2:
0x7f: {  	p0 =	sne.s32 s17, $0x1;
	s17 =	sadd.s32 $0xFFFFFFFF, s17;
	[sflag:s5] =	ssyncadd.s32 $0xFFFFFE00  }
0x80: {  	[tilespmem:s2], [sflag:$0x1] =	stream.strided.gather [hbm4b:s3+s4], $0x1000, s6, s4, $0x38;
	[tilespmem:$0x4280] =	vst v63  }
0x81: {  	_ =	swait.ge [sflag:s5], $0x1000  }
0x82: {  	[sflag:s5] =	ssyncset.done $0x0  }
0x83: {  	[sflag:s5] =	ssyncadd.s32 $0xFFFFF000  }
0x84: {  	[tilespmem:s8], [sflag:$0x1] =	stream.strided.gather [hbm4b:s7+s4], $0x1000, s6, s4, $0x38;
	[tilespmem:$0x4280] =	vst v63  }
0x85: {  	_ =	swait.ge [sflag:s5], $0x1000  }
0x86: {  	[sflag:s5] =	ssyncset.done $0x0  }
0x87: {  	[sflag:s5] =	ssyncadd.s32 $0xFFFFF000  }
0x88: {  	[tilespmem:s10], [sflag:$0x1] =	stream.strided.gather [hbm4b:s9+s4], $0x1000, s6, s4, $0x38;
	[tilespmem:$0x4280] =	vst v63  }
0x89: {  	_ =	swait.ge [sflag:s5], $0x1000  }
0x8a: {  	[sflag:s5] =	ssyncset.done $0x0  }
0x8b: {  	[sflag:s5] =	ssyncadd.s32 $0xFFFFF000  }
0x8c: {  	[tilespmem:s12], [sflag:$0x1] =	stream.strided.gather [hbm4b:s11+s4], $0x1000, s6, s4, $0x38;
	[tilespmem:$0x4280] =	vst v63  }
0x8d: {  	_ =	swait.ge [sflag:s5], $0x1000  }
0x8e: {  	[sflag:s5] =	ssyncset.done $0x0  }
0x8f: {  	[sflag:s5] =	ssyncadd.s32 $0xFFFFF000  }
0x90: {  	[tilespmem:s14], [sflag:$0x1] =	stream.linear.gather [hbm4b:s13+s2], $0x80, $0x38;
	[tilespmem:$0x4280] =	vst v63  }
0x91: {  	_ =	swait.ge [sflag:s5], $0x80  }
0x92: {  	[sflag:s5] =	ssyncset.done $0x0  }
0x93: {  	[sflag:s5] =	ssyncadd.s32 $0xFFFFFF80  }
0x94: {  	v0 =	vld [tilespmem:$0x4000];
	_ =	sdelay $0x6  }
0x95: {  	v1 =	vld [tilespmem:$0x4010]  }
0x96: {  	v0 =	vld.idx.msk [tilespmem:v0+s2+$0x0], $0xffff;
	_ =	sdelay $0x5  }
0x97: {  	[tilespmem:$0x4080] =	vst v0;
	v0 =	vld [tilespmem:$0x4020]  }
0x98: {  	v1 =	vld.idx.msk [tilespmem:v1+s2+$0x0], $0xffff;
	_ =	sdelay $0x5  }
0x99: {  	[tilespmem:$0x4090] =	vst v1;
	v1 =	vld [tilespmem:$0x4030]  }
0x9a: {  	v0 =	vld.idx.msk [tilespmem:v0+s2+$0x0], $0xffff;
	_ =	sdelay $0x5  }
0x9b: {  	[tilespmem:$0x40A0] =	vst v0;
	v0 =	vld [tilespmem:$0x4040]  }
0x9c: {  	v1 =	vld.idx.msk [tilespmem:v1+s2+$0x0], $0xffff;
	_ =	sdelay $0x5  }
0x9d: {  	[tilespmem:$0x40B0] =	vst v1;
	v1 =	vld [tilespmem:$0x4050]  }
0x9e: {  	v0 =	vld.idx.msk [tilespmem:v0+s2+$0x0], $0xffff;
	_ =	sdelay $0x5  }
0x9f: {  	[tilespmem:$0x40C0] =	vst v0;
	v0 =	vld [tilespmem:$0x4060]  }
0xa0: {  	v1 =	vld.idx.msk [tilespmem:v1+s2+$0x0], $0xffff;
	_ =	sdelay $0x5  }
0xa1: {  	[tilespmem:$0x40D0] =	vst v1;
	v1 =	vld [tilespmem:$0x4000]  }
0xa2: {  	v0 =	vld.idx.msk [tilespmem:v0+s2+$0x0], $0xffff;
	_ =	sdelay $0x5  }
0xa3: {  	[tilespmem:$0x40E0] =	vst v0;
	v0 =	vld [tilespmem:$0x4010]  }
0xa4: {  	v1 =	vld.idx.msk [tilespmem:v1+s8+$0x0], $0xffff;
	_ =	sdelay $0x5  }
0xa5: {  	[tilespmem:$0x4100] =	vst v1;
	v1 =	vld [tilespmem:$0x4020]  }
0xa6: {  	v0 =	vld.idx.msk [tilespmem:v0+s8+$0x0], $0xffff;
	_ =	sdelay $0x5  }
0xa7: {  	[tilespmem:$0x4110] =	vst v0;
	v0 =	vld [tilespmem:$0x4030]  }
0xa8: {  	v1 =	vld.idx.msk [tilespmem:v1+s8+$0x0], $0xffff;
	_ =	sdelay $0x5  }
0xa9: {  	[tilespmem:$0x4120] =	vst v1;
	v1 =	vld [tilespmem:$0x4040]  }
0xaa: {  	v0 =	vld.idx.msk [tilespmem:v0+s8+$0x0], $0xffff;
	_ =	sdelay $0x5  }
0xab: {  	[tilespmem:$0x4130] =	vst v0;
	v0 =	vld [tilespmem:$0x4050]  }
0xac: {  	v1 =	vld.idx.msk [tilespmem:v1+s8+$0x0], $0xffff;
	_ =	sdelay $0x5  }
0xad: {  	[tilespmem:$0x4140] =	vst v1;
	v1 =	vld [tilespmem:$0x4060]  }
0xae: {  	v0 =	vld.idx.msk [tilespmem:v0+s8+$0x0], $0xffff;
	_ =	sdelay $0x5  }
0xaf: {  	[tilespmem:$0x4150] =	vst v0;
	v0 =	vld [tilespmem:$0x4000]  }
0xb0: {  	v1 =	vld.idx.msk [tilespmem:v1+s8+$0x0], $0xffff;
	_ =	sdelay $0x5  }
0xb1: {  	[tilespmem:$0x4160] =	vst v1;
	v1 =	vld [tilespmem:$0x4010]  }
0xb2: {  	v0 =	vld.idx.msk [tilespmem:v0+s10+$0x0], $0xffff;
	_ =	sdelay $0x5  }
0xb3: {  	[tilespmem:$0x4180] =	vst v0;
	v0 =	vld [tilespmem:$0x4020]  }
0xb4: {  	v1 =	vld.idx.msk [tilespmem:v1+s10+$0x0], $0xffff;
	_ =	sdelay $0x5  }
0xb5: {  	[tilespmem:$0x4190] =	vst v1;
	v1 =	vld [tilespmem:$0x4030]  }
0xb6: {  	v0 =	vld.idx.msk [tilespmem:v0+s10+$0x0], $0xffff;
	_ =	sdelay $0x5  }
0xb7: {  	[tilespmem:$0x41A0] =	vst v0;
	v0 =	vld [tilespmem:$0x4040]  }
0xb8: {  	v1 =	vld.idx.msk [tilespmem:v1+s10+$0x0], $0xffff;
	_ =	sdelay $0x5  }
0xb9: {  	[tilespmem:$0x41B0] =	vst v1;
	v1 =	vld [tilespmem:$0x4050]  }
0xba: {  	v0 =	vld.idx.msk [tilespmem:v0+s10+$0x0], $0xffff;
	_ =	sdelay $0x5  }
0xbb: {  	[tilespmem:$0x41C0] =	vst v0;
	v0 =	vld [tilespmem:$0x4060]  }
0xbc: {  	v1 =	vld.idx.msk [tilespmem:v1+s10+$0x0], $0xffff;
	_ =	sdelay $0x5  }
0xbd: {  	[tilespmem:$0x41D0] =	vst v1;
	v1 =	vld [tilespmem:$0x4000]  }
0xbe: {  	v0 =	vld.idx.msk [tilespmem:v0+s10+$0x0], $0xffff;
	_ =	sdelay $0x5  }
0xbf: {  	[tilespmem:$0x41E0] =	vst v0;
	v0 =	vld [tilespmem:$0x4010]  }
0xc0: {  	v1 =	vld.idx.msk [tilespmem:v1+s12+$0x0], $0xffff;
	_ =	sdelay $0x5  }
0xc1: {  	[tilespmem:$0x4200] =	vst v1;
	v1 =	vld [tilespmem:$0x4020]  }
0xc2: {  	v0 =	vld.idx.msk [tilespmem:v0+s12+$0x0], $0xffff;
	_ =	sdelay $0x5  }
0xc3: {  	[tilespmem:$0x4210] =	vst v0;
	v0 =	vld [tilespmem:$0x4030]  }
0xc4: {  	v1 =	vld.idx.msk [tilespmem:v1+s12+$0x0], $0xffff;
	_ =	sdelay $0x5  }
0xc5: {  	[tilespmem:$0x4220] =	vst v1;
	v1 =	vld [tilespmem:$0x4040]  }
0xc6: {  	v0 =	vld.idx.msk [tilespmem:v0+s12+$0x0], $0xffff;
	_ =	sdelay $0x5  }
0xc7: {  	[tilespmem:$0x4230] =	vst v0;
	v0 =	vld [tilespmem:$0x4050]  }
0xc8: {  	v1 =	vld.idx.msk [tilespmem:v1+s12+$0x0], $0xffff;
	_ =	sdelay $0x5  }
0xc9: {  	[tilespmem:$0x4240] =	vst v1;
	v1 =	vld [tilespmem:$0x4060]  }
0xca: {  	v0 =	vld.idx.msk [tilespmem:v0+s12+$0x0], $0xffff;
	_ =	sdelay $0x5  }
0xcb: {  	[tilespmem:$0x4250] =	vst v0  }
0xcc: {  	v0 =	vld.idx.msk [tilespmem:v1+s12+$0x0], $0xffff;
	_ =	sdelay $0x4  }
.Ltmp2:
0xcd: {  	(pc) =	sbr.rel @p0 .LBB2_2-.Ltmp2, $4  }
0xce: {  	[tilespmem:$0x4260] =	vst v0  }
0xcf: {  	[hbm4b:s15+s2] =	stream.linear.scatter [tilespmem:s16], [sflag:$0x1], $0x200, $0x38;
	[tilespmem:$0x4280] =	vst v63  }
0xd0: {  	_ =	swait.ge [sflag:s5], $0x200  }
0xd1: {  	[sflag:s5] =	ssyncset.done $0x0  }
.LBB2_3:
0xd2: {  	[sflag:s5] =	ssyncadd.s32 $0xFFFFFE00  }
.LBB2_4:
0xd3: {  	_ =	sfence.sel $0x180000  }
0xd4: {  	[bflag:$0x0] =	sbarrier.arrive $0xFFFF  }
0xd5: {  	p0 =	sne.s32 s1, $0x0;
	_ =	strace $0x9000004A  }
0xd6: {  	s0 =	sadd.s32 @!p0 $0x100000, s0;
	[bflag:$0x2] =	sbarrier.arrive $0xFFFF  }
0xd7: {  	[sflag:s0] =	ssyncadd.tile.s32 @!p0 $0x1;
	_ =	shalt  }
.Lfunc_end2:
_tile_overlayer_lowered:
.L_overlay_start_2:
0xd8: {  	(tag) =	ssettag $0x2  }
0xd9: {  	s0 =	rddreg [dreg:$0x0];
	s2 =	stileid.u32  }
0xda: {  	s1 =	rddreg [dreg:$0x1];
	p0 =	sne.s32 s2, $0x0  }
0xdb: {  	s3 =	rddreg [dreg:$0x2];
	[bflag:$0x3] =	sbarrier.arrive $0xFFFF;
	s2 =	simm.s32 @!p0 $0x1C01  }
0xdc: {  	[timem:s3], [sflag:s2] =	dma.local @!p0 [hbm:s0], s1  }
0xdd: {  	s0 =	simm.s32 @!p0 $0x1  }
0xde: {  	_ =	swait.ge @!p0 [sflag:s0], s1  }
0xdf: {  	s1 =	ssub.s32 @!p0 $0x0, s1;
	[sflag:s0] =	ssyncset.done @!p0 $0x0  }
0xe0: {  	[sflag:s0] =	ssyncadd.s32 @!p0 s1  }
0xe1: {  	[bflag:$0x3] =	sbarrier.arrive $0xFFFF  }
0xe2: {  	_ =	shalt  }

</sc_bundles>
